<compile_context>
chip_gen: v7x
topology: tpu7x:2x2x1
jax: 0.10.2.dev20260603
libtpu: 0.0.44.dev20260713+nightly
codegen_flags: <defaults>
</compile_context>

<pallas_src>
import jax
import jax.numpy as jnp
from jax import lax
from jax.experimental import pallas as pl
from jax.experimental.pallas import tpu as pltpu
from jax.experimental.pallas import tpu_sc as plsc

_NC = 2
_NS = 16
_NW = _NC * _NS
_L = 16
_CAP = 131072
_BATCH = 16384
_LR = 0.05

_WIN = _CAP // _NW
_WSHIFT = 12
_CPT = _BATCH // _NW
_NJ = _CPT // 128
_UNROLL = 8


def _body(cur_hbm, cand_hbm, latest_hbm, gap_hbm,
          prob_hbm, out_latest_hbm, out_gap_hbm,
          cand_v, lat_w, gap_w, cg_v, lidx_v, latp, gapp, prob_v, curv,
          sem_a, sem_g, sem_c):
    c = lax.axis_index("c")
    s = lax.axis_index("s")
    w = c * _NS + s
    wbase = w * _WIN

    stc = pltpu.async_copy(cand_hbm, cand_v, sem_c)
    st1 = pltpu.async_copy(latest_hbm.at[pl.ds(wbase, _WIN)],
                           lat_w.at[pl.ds(0, _WIN)], sem_a)
    st2 = pltpu.async_copy(gap_hbm.at[pl.ds(wbase, _WIN)],
                           gap_w.at[pl.ds(0, _WIN)], sem_a)
    pltpu.sync_copy(cur_hbm, curv)
    stc.wait()

    cbase = w * _CPT
    gathers = []
    for j in range(_NJ):
        gathers.append(pltpu.async_copy(
            latest_hbm.at[cand_v.at[pl.ds(cbase + j * 128, 128)]],
            latp.at[j], sem_g))
        gathers.append(pltpu.async_copy(
            gap_hbm.at[cand_v.at[pl.ds(cbase + j * 128, 128)]],
            gapp.at[j], sem_g))

    cur = curv[...]
    trashv = _WIN + lax.broadcasted_iota(jnp.int32, (_L,), 0)
    st1.wait()
    st2.wait()

    @plsc.parallel_loop(0, _BATCH // _L, unroll=_UNROLL)
    def pass1(it):
        off = it * _L
        idx = cand_v[pl.ds(off, _L)]
        mask = (idx >> _WSHIFT) == w
        lidx = jnp.where(mask, idx - wbase, trashv)
        lat = plsc.load_gather(lat_w, [lidx])
        gp = plsc.load_gather(gap_w, [lidx])
        delta = (cur - lat).astype(jnp.float32)
        coef = jnp.where(lat == 0, 1.0, _LR).astype(jnp.float32)
        cg_v[pl.ds(off, _L)] = (1.0 - _LR) * gp + coef * delta
        lidx_v[pl.ds(off, _L)] = lidx

    for g in gathers:
        g.wait()
    for i in range(_CPT // _L):
        j, k = divmod(i, 128 // _L)
        sl = pl.ds(k * _L, _L)
        lat = latp[j, sl]
        gp = gapp[j, sl]
        delta = (cur - lat).astype(jnp.float32)
        coef = jnp.where(lat == 0, 1.0, _LR).astype(jnp.float32)
        cg = (1.0 - _LR) * gp + coef * delta
        prob_v[pl.ds(i * _L, _L)] = 1.0 / cg
    pr = pltpu.async_copy(prob_v, prob_hbm.at[pl.ds(cbase, _CPT)], sem_g)

    @plsc.parallel_loop(0, _BATCH // _L, unroll=_UNROLL)
    def pass2(it):
        off = it * _L
        lidx = lidx_v[pl.ds(off, _L)]
        plsc.store_scatter(lat_w, [lidx], cur)
        plsc.store_scatter(gap_w, [lidx], cg_v[pl.ds(off, _L)])

    fl1 = pltpu.async_copy(lat_w.at[pl.ds(0, _WIN)],
                           out_latest_hbm.at[pl.ds(wbase, _WIN)], sem_a)
    fl2 = pltpu.async_copy(gap_w.at[pl.ds(0, _WIN)],
                           out_gap_hbm.at[pl.ds(wbase, _WIN)], sem_a)
    fl1.wait()
    fl2.wait()
    pr.wait()


@jax.jit
def _sc_call(cur_vec, candidate_ids, latest_step, step_gap):
    mesh = plsc.VectorSubcoreMesh(core_axis_name="c", subcore_axis_name="s")
    f = pl.kernel(
        _body,
        out_type=(
            jax.ShapeDtypeStruct((_BATCH,), jnp.float32),
            jax.ShapeDtypeStruct((_CAP,), jnp.int32),
            jax.ShapeDtypeStruct((_CAP,), jnp.float32),
        ),
        mesh=mesh,
        compiler_params=pltpu.CompilerParams(needs_layout_passes=False),
        scratch_types=(
            pltpu.VMEM((_BATCH,), jnp.int32),
            pltpu.VMEM((_WIN + _L,), jnp.int32),
            pltpu.VMEM((_WIN + _L,), jnp.float32),
            pltpu.VMEM((_BATCH,), jnp.float32),
            pltpu.VMEM((_BATCH,), jnp.int32),
            pltpu.VMEM((_NJ, 128), jnp.int32),
            pltpu.VMEM((_NJ, 128), jnp.float32),
            pltpu.VMEM((_CPT,), jnp.float32),
            pltpu.VMEM((_L,), jnp.int32),
            pltpu.SemaphoreType.DMA,
            pltpu.SemaphoreType.DMA,
            pltpu.SemaphoreType.DMA,
        ),
    )
    return f(cur_vec, candidate_ids, latest_step, step_gap)


def kernel(cur_step, candidate_ids, latest_step, step_gap):
    cur_vec = jnp.full((_L,), cur_step, dtype=jnp.int32)
    return _sc_call(cur_vec, candidate_ids, latest_step, step_gap)

# --- scband reference (transcript-rebuilt; emitter-appended) ---
"""Pipeline reference for scband-sampling-bias-correction-22222160789529 (READ-ONLY COPY).

The authoritative reference and input builder live on the scoring server;
editing this copy changes nothing except your own understanding.
"""

import jax, jax.numpy as jnp
import numpy as np

LR = 0.05
CAPACITY = 131072
BATCH = 16384
CUR_STEP = 600000


def setup_inputs(seed: int = 0) -> dict:
    key = jax.random.key(seed)
    k1, k2, k3, k4 = jax.random.split(key, 4)
    candidate_ids = jax.random.randint(k1, (BATCH,), 0, CAPACITY)
    latest_step = jax.random.randint(k2, (CAPACITY,), 1, 500000)
    # ~10% of keys are 'unseen' -> hash-table default value 0 in both tables
    unseen = jax.random.uniform(k3, (CAPACITY,)) < 0.1
    latest_step = jnp.where(unseen, 0, latest_step)
    step_gap = jax.random.uniform(k4, (CAPACITY,), minval=0.5, maxval=200.0)
    step_gap = jnp.where(unseen, 0.0, step_gap)
    return {
        "cur_step": CUR_STEP,
        "candidate_ids": candidate_ids,
        "latest_step": latest_step,
        "step_gap": step_gap,
    }


def reference(cur_step, candidate_ids, latest_step, step_gap):
    # cur_step = tf.repeat(cur_step, tf.shape(candidate_ids))
    cur_step_rep = jnp.full(candidate_ids.shape, cur_step, dtype=latest_step.dtype)
    # hash-table lookups -> dense gathers (string keys mapped to int ids)
    latest = jnp.take(latest_step, candidate_ids, axis=0)
    prev_gap = jnp.take(step_gap, candidate_ids, axis=0)
    cur_gap = (1.0 - LR) * prev_gap + jnp.where(latest == 0, 1.0, LR) * (
        cur_step_rep - latest
    ).astype(jnp.float32)
    # hash-table inserts -> scatter-overwrite into the memory tables
    new_latest_step = latest_step.at[candidate_ids].set(cur_step_rep)
    new_step_gap = step_gap.at[candidate_ids].set(cur_gap)
    prob = 1.0 / cur_gap
    return prob, new_latest_step, new_step_gap

if __name__ == "__main__":
    import jax
    _d = setup_inputs()
    print(jax.jit(kernel)(*tuple(_d.values())))

</pallas_src>

<mosaic_0001>
#map = affine_map<(d0, d1) -> (0)>
module attributes {stable_mosaic.version = 14 : i64} {
  func.func @_body(%arg0: i32, %arg1: i32, %arg2: memref<16xi32, #tpu.memory_space<hbm>>, %arg3: memref<16384xi32, #tpu.memory_space<hbm>>, %arg4: memref<131072xi32, #tpu.memory_space<hbm>>, %arg5: memref<131072xf32, #tpu.memory_space<hbm>>, %arg6: memref<16384xf32, #tpu.memory_space<hbm>>, %arg7: memref<131072xi32, #tpu.memory_space<hbm>>, %arg8: memref<131072xf32, #tpu.memory_space<hbm>>, %arg9: memref<16384xi32, #tpu.memory_space<vmem>>, %arg10: memref<4112xi32, #tpu.memory_space<vmem>>, %arg11: memref<4112xf32, #tpu.memory_space<vmem>>, %arg12: memref<16384xf32, #tpu.memory_space<vmem>>, %arg13: memref<16384xi32, #tpu.memory_space<vmem>>, %arg14: memref<4x128xi32, #tpu.memory_space<vmem>>, %arg15: memref<4x128xf32, #tpu.memory_space<vmem>>, %arg16: memref<512xf32, #tpu.memory_space<vmem>>, %arg17: memref<16xi32, #tpu.memory_space<vmem>>, %arg18: memref<!tpu.dma_semaphore, #tpu.memory_space<semaphore_mem>>, %arg19: memref<!tpu.dma_semaphore, #tpu.memory_space<semaphore_mem>>, %arg20: memref<!tpu.dma_semaphore, #tpu.memory_space<semaphore_mem>>) attributes {dimension_semantics = [#tpu.dimension_semantics<core_parallel>, #tpu.dimension_semantics<subcore_parallel>], iteration_bounds = array<i64: 2, 16>, scalar_prefetch = 0 : i64, scratch_operands = 12 : i64, tpu.core_type = #tpu.core_type<sc_vector_subcore>, window_params = [{transform_indices = #map}, {transform_indices = #map}, {transform_indices = #map}, {transform_indices = #map}, {transform_indices = #map}, {transform_indices = #map}, {transform_indices = #map}]} {
    %mul3A = arith.constant 16 : i32
    %mul3A_0 = arith.muli %arg0, %mul3A : i32
    %add3A = arith.addi %mul3A_0, %arg1 : i32
    %mul3A_1 = arith.constant 4096 : i32
    %mul3A_2 = arith.muli %add3A, %mul3A_1 : i32
    tpu.enqueue_dma source(%arg3 : memref<16384xi32, #tpu.memory_space<hbm>>) target(%arg9 : memref<16384xi32, #tpu.memory_space<vmem>>) target_semaphore(%arg20 : memref<!tpu.dma_semaphore, #tpu.memory_space<semaphore_mem>>)
    %dma_start3A = arith.constant 0 : i32
    %dma_start3A_3 = tpu.memref_slice %arg10[%dma_start3A] : memref<4112xi32, #tpu.memory_space<vmem>> -> memref<4096xi32, #tpu.memory_space<vmem>>
    %dma_start3A_4 = tpu.memref_slice %arg4[%mul3A_2] : memref<131072xi32, #tpu.memory_space<hbm>> -> memref<4096xi32, #tpu.memory_space<hbm>>
    %dma_start3A_5 = arith.constant 0 : i32
    %dma_start3A_6 = tpu.memref_slice %arg10[%dma_start3A_5] : memref<4112xi32, #tpu.memory_space<vmem>> -> memref<4096xi32, #tpu.memory_space<vmem>>
    %dma_start3A_7 = tpu.memref_slice %arg4[%mul3A_2] : memref<131072xi32, #tpu.memory_space<hbm>> -> memref<4096xi32, #tpu.memory_space<hbm>>
    tpu.enqueue_dma source(%dma_start3A_7 : memref<4096xi32, #tpu.memory_space<hbm>>) target(%dma_start3A_6 : memref<4096xi32, #tpu.memory_space<vmem>>) target_semaphore(%arg18 : memref<!tpu.dma_semaphore, #tpu.memory_space<semaphore_mem>>)
    %dma_start3A_8 = arith.constant 0 : i32
    %dma_start3A_9 = tpu.memref_slice %arg11[%dma_start3A_8] : memref<4112xf32, #tpu.memory_space<vmem>> -> memref<4096xf32, #tpu.memory_space<vmem>>
    %dma_start3A_10 = tpu.memref_slice %arg5[%mul3A_2] : memref<131072xf32, #tpu.memory_space<hbm>> -> memref<4096xf32, #tpu.memory_space<hbm>>
    %dma_start3A_11 = arith.constant 0 : i32
    %dma_start3A_12 = tpu.memref_slice %arg11[%dma_start3A_11] : memref<4112xf32, #tpu.memory_space<vmem>> -> memref<4096xf32, #tpu.memory_space<vmem>>
    %dma_start3A_13 = tpu.memref_slice %arg5[%mul3A_2] : memref<131072xf32, #tpu.memory_space<hbm>> -> memref<4096xf32, #tpu.memory_space<hbm>>
    tpu.enqueue_dma source(%dma_start3A_13 : memref<4096xf32, #tpu.memory_space<hbm>>) target(%dma_start3A_12 : memref<4096xf32, #tpu.memory_space<vmem>>) target_semaphore(%arg18 : memref<!tpu.dma_semaphore, #tpu.memory_space<semaphore_mem>>)
    "tpu.region"() ({
      %run_scoped3A = tpu.sem_alloc : memref<!tpu.dma_semaphore, #tpu.memory_space<semaphore_mem>>
      tpu.enqueue_dma source(%arg2 : memref<16xi32, #tpu.memory_space<hbm>>) target(%arg17 : memref<16xi32, #tpu.memory_space<vmem>>) target_semaphore(%run_scoped3A : memref<!tpu.dma_semaphore, #tpu.memory_space<semaphore_mem>>)
      tpu.wait_dma2 semaphore(%run_scoped3A : memref<!tpu.dma_semaphore, #tpu.memory_space<semaphore_mem>>) src(%arg2 : memref<16xi32, #tpu.memory_space<hbm>>) dst(%arg17 : memref<16xi32, #tpu.memory_space<vmem>>)
      tpu.yield
    }) : () -> ()
    tpu.wait_dma2 semaphore(%arg20 : memref<!tpu.dma_semaphore, #tpu.memory_space<semaphore_mem>>) src(%arg3 : memref<16384xi32, #tpu.memory_space<hbm>>) dst(%arg9 : memref<16384xi32, #tpu.memory_space<vmem>>)
    %mul3A_14 = arith.constant 512 : i32
    %mul3A_15 = arith.muli %add3A, %mul3A_14 : i32
    %add3A_16 = arith.constant 0 : i32
    %add3A_17 = arith.addi %mul3A_15, %add3A_16 : i32
    %dma_start3A_18 = arith.constant 0 : i32
    %dma_start3A_19 = arith.constant 0 : i32
    %dma_start3A_20 = tpu.memref_slice %arg14[%dma_start3A_18, %dma_start3A_19] : memref<4x128xi32, #tpu.memory_space<vmem>> -> memref<1x128xi32, #tpu.memory_space<vmem>>
    %dma_start3A_21 = tpu.memref_squeeze %dma_start3A_20 : memref<1x128xi32, #tpu.memory_space<vmem>> -> memref<128xi32, #tpu.memory_space<vmem>>
    %dma_start3A_22 = tpu.memref_slice %arg9[%add3A_17] : memref<16384xi32, #tpu.memory_space<vmem>> -> memref<128xi32, #tpu.memory_space<vmem>>
    %dma_start3A_23 = arith.constant 0 : i32
    %dma_start3A_24 = tpu.memref_slice %arg4[%dma_start3A_23] : memref<131072xi32, #tpu.memory_space<hbm>> -> memref<131072xi32, #tpu.memory_space<hbm>>
    tpu.enqueue_indirect_dma source(%dma_start3A_24 : memref<131072xi32, #tpu.memory_space<hbm>>) target(%dma_start3A_21 : memref<128xi32, #tpu.memory_space<vmem>>) offsets(%dma_start3A_22 : memref<128xi32, #tpu.memory_space<vmem>>) semaphore(%arg19 : memref<!tpu.dma_semaphore, #tpu.memory_space<semaphore_mem>>)
    %add3A_25 = arith.constant 0 : i32
    %add3A_26 = arith.addi %mul3A_15, %add3A_25 : i32
    %dma_start3A_27 = arith.constant 0 : i32
    %dma_start3A_28 = arith.constant 0 : i32
    %dma_start3A_29 = tpu.memref_slice %arg15[%dma_start3A_27, %dma_start3A_28] : memref<4x128xf32, #tpu.memory_space<vmem>> -> memref<1x128xf32, #tpu.memory_space<vmem>>
    %dma_start3A_30 = tpu.memref_squeeze %dma_start3A_29 : memref<1x128xf32, #tpu.memory_space<vmem>> -> memref<128xf32, #tpu.memory_space<vmem>>
    %dma_start3A_31 = tpu.memref_slice %arg9[%add3A_26] : memref<16384xi32, #tpu.memory_space<vmem>> -> memref<128xi32, #tpu.memory_space<vmem>>
    %dma_start3A_32 = arith.constant 0 : i32
    %dma_start3A_33 = tpu.memref_slice %arg5[%dma_start3A_32] : memref<131072xf32, #tpu.memory_space<hbm>> -> memref<131072xf32, #tpu.memory_space<hbm>>
    tpu.enqueue_indirect_dma source(%dma_start3A_33 : memref<131072xf32, #tpu.memory_space<hbm>>) target(%dma_start3A_30 : memref<128xf32, #tpu.memory_space<vmem>>) offsets(%dma_start3A_31 : memref<128xi32, #tpu.memory_space<vmem>>) semaphore(%arg19 : memref<!tpu.dma_semaphore, #tpu.memory_space<semaphore_mem>>)
    %add3A_34 = arith.constant 128 : i32
    %add3A_35 = arith.addi %mul3A_15, %add3A_34 : i32
    %dma_start3A_36 = arith.constant 1 : i32
    %dma_start3A_37 = arith.constant 0 : i32
    %dma_start3A_38 = tpu.memref_slice %arg14[%dma_start3A_36, %dma_start3A_37] : memref<4x128xi32, #tpu.memory_space<vmem>> -> memref<1x128xi32, #tpu.memory_space<vmem>>
    %dma_start3A_39 = tpu.memref_squeeze %dma_start3A_38 : memref<1x128xi32, #tpu.memory_space<vmem>> -> memref<128xi32, #tpu.memory_space<vmem>>
    %dma_start3A_40 = tpu.memref_slice %arg9[%add3A_35] : memref<16384xi32, #tpu.memory_space<vmem>> -> memref<128xi32, #tpu.memory_space<vmem>>
    %dma_start3A_41 = arith.constant 0 : i32
    %dma_start3A_42 = tpu.memref_slice %arg4[%dma_start3A_41] : memref<131072xi32, #tpu.memory_space<hbm>> -> memref<131072xi32, #tpu.memory_space<hbm>>
    tpu.enqueue_indirect_dma source(%dma_start3A_42 : memref<131072xi32, #tpu.memory_space<hbm>>) target(%dma_start3A_39 : memref<128xi32, #tpu.memory_space<vmem>>) offsets(%dma_start3A_40 : memref<128xi32, #tpu.memory_space<vmem>>) semaphore(%arg19 : memref<!tpu.dma_semaphore, #tpu.memory_space<semaphore_mem>>)
    %add3A_43 = arith.constant 128 : i32
    %add3A_44 = arith.addi %mul3A_15, %add3A_43 : i32
    %dma_start3A_45 = arith.constant 1 : i32
    %dma_start3A_46 = arith.constant 0 : i32
    %dma_start3A_47 = tpu.memref_slice %arg15[%dma_start3A_45, %dma_start3A_46] : memref<4x128xf32, #tpu.memory_space<vmem>> -> memref<1x128xf32, #tpu.memory_space<vmem>>
    %dma_start3A_48 = tpu.memref_squeeze %dma_start3A_47 : memref<1x128xf32, #tpu.memory_space<vmem>> -> memref<128xf32, #tpu.memory_space<vmem>>
    %dma_start3A_49 = tpu.memref_slice %arg9[%add3A_44] : memref<16384xi32, #tpu.memory_space<vmem>> -> memref<128xi32, #tpu.memory_space<vmem>>
    %dma_start3A_50 = arith.constant 0 : i32
    %dma_start3A_51 = tpu.memref_slice %arg5[%dma_start3A_50] : memref<131072xf32, #tpu.memory_space<hbm>> -> memref<131072xf32, #tpu.memory_space<hbm>>
    tpu.enqueue_indirect_dma source(%dma_start3A_51 : memref<131072xf32, #tpu.memory_space<hbm>>) target(%dma_start3A_48 : memref<128xf32, #tpu.memory_space<vmem>>) offsets(%dma_start3A_49 : memref<128xi32, #tpu.memory_space<vmem>>) semaphore(%arg19 : memref<!tpu.dma_semaphore, #tpu.memory_space<semaphore_mem>>)
    %add3A_52 = arith.constant 256 : i32
    %add3A_53 = arith.addi %mul3A_15, %add3A_52 : i32
    %dma_start3A_54 = arith.constant 2 : i32
    %dma_start3A_55 = arith.constant 0 : i32
    %dma_start3A_56 = tpu.memref_slice %arg14[%dma_start3A_54, %dma_start3A_55] : memref<4x128xi32, #tpu.memory_space<vmem>> -> memref<1x128xi32, #tpu.memory_space<vmem>>
    %dma_start3A_57 = tpu.memref_squeeze %dma_start3A_56 : memref<1x128xi32, #tpu.memory_space<vmem>> -> memref<128xi32, #tpu.memory_space<vmem>>
    %dma_start3A_58 = tpu.memref_slice %arg9[%add3A_53] : memref<16384xi32, #tpu.memory_space<vmem>> -> memref<128xi32, #tpu.memory_space<vmem>>
    %dma_start3A_59 = arith.constant 0 : i32
    %dma_start3A_60 = tpu.memref_slice %arg4[%dma_start3A_59] : memref<131072xi32, #tpu.memory_space<hbm>> -> memref<131072xi32, #tpu.memory_space<hbm>>
    tpu.enqueue_indirect_dma source(%dma_start3A_60 : memref<131072xi32, #tpu.memory_space<hbm>>) target(%dma_start3A_57 : memref<128xi32, #tpu.memory_space<vmem>>) offsets(%dma_start3A_58 : memref<128xi32, #tpu.memory_space<vmem>>) semaphore(%arg19 : memref<!tpu.dma_semaphore, #tpu.memory_space<semaphore_mem>>)
    %add3A_61 = arith.constant 256 : i32
    %add3A_62 = arith.addi %mul3A_15, %add3A_61 : i32
    %dma_start3A_63 = arith.constant 2 : i32
    %dma_start3A_64 = arith.constant 0 : i32
    %dma_start3A_65 = tpu.memref_slice %arg15[%dma_start3A_63, %dma_start3A_64] : memref<4x128xf32, #tpu.memory_space<vmem>> -> memref<1x128xf32, #tpu.memory_space<vmem>>
    %dma_start3A_66 = tpu.memref_squeeze %dma_start3A_65 : memref<1x128xf32, #tpu.memory_space<vmem>> -> memref<128xf32, #tpu.memory_space<vmem>>
    %dma_start3A_67 = tpu.memref_slice %arg9[%add3A_62] : memref<16384xi32, #tpu.memory_space<vmem>> -> memref<128xi32, #tpu.memory_space<vmem>>
    %dma_start3A_68 = arith.constant 0 : i32
    %dma_start3A_69 = tpu.memref_slice %arg5[%dma_start3A_68] : memref<131072xf32, #tpu.memory_space<hbm>> -> memref<131072xf32, #tpu.memory_space<hbm>>
    tpu.enqueue_indirect_dma source(%dma_start3A_69 : memref<131072xf32, #tpu.memory_space<hbm>>) target(%dma_start3A_66 : memref<128xf32, #tpu.memory_space<vmem>>) offsets(%dma_start3A_67 : memref<128xi32, #tpu.memory_space<vmem>>) semaphore(%arg19 : memref<!tpu.dma_semaphore, #tpu.memory_space<semaphore_mem>>)
    %add3A_70 = arith.constant 384 : i32
    %add3A_71 = arith.addi %mul3A_15, %add3A_70 : i32
    %dma_start3A_72 = arith.constant 3 : i32
    %dma_start3A_73 = arith.constant 0 : i32
    %dma_start3A_74 = tpu.memref_slice %arg14[%dma_start3A_72, %dma_start3A_73] : memref<4x128xi32, #tpu.memory_space<vmem>> -> memref<1x128xi32, #tpu.memory_space<vmem>>
    %dma_start3A_75 = tpu.memref_squeeze %dma_start3A_74 : memref<1x128xi32, #tpu.memory_space<vmem>> -> memref<128xi32, #tpu.memory_space<vmem>>
    %dma_start3A_76 = tpu.memref_slice %arg9[%add3A_71] : memref<16384xi32, #tpu.memory_space<vmem>> -> memref<128xi32, #tpu.memory_space<vmem>>
    %dma_start3A_77 = arith.constant 0 : i32
    %dma_start3A_78 = tpu.memref_slice %arg4[%dma_start3A_77] : memref<131072xi32, #tpu.memory_space<hbm>> -> memref<131072xi32, #tpu.memory_space<hbm>>
    tpu.enqueue_indirect_dma source(%dma_start3A_78 : memref<131072xi32, #tpu.memory_space<hbm>>) target(%dma_start3A_75 : memref<128xi32, #tpu.memory_space<vmem>>) offsets(%dma_start3A_76 : memref<128xi32, #tpu.memory_space<vmem>>) semaphore(%arg19 : memref<!tpu.dma_semaphore, #tpu.memory_space<semaphore_mem>>)
    %add3A_79 = arith.constant 384 : i32
    %add3A_80 = arith.addi %mul3A_15, %add3A_79 : i32
    %dma_start3A_81 = arith.constant 3 : i32
    %dma_start3A_82 = arith.constant 0 : i32
    %dma_start3A_83 = tpu.memref_slice %arg15[%dma_start3A_81, %dma_start3A_82] : memref<4x128xf32, #tpu.memory_space<vmem>> -> memref<1x128xf32, #tpu.memory_space<vmem>>
    %dma_start3A_84 = tpu.memref_squeeze %dma_start3A_83 : memref<1x128xf32, #tpu.memory_space<vmem>> -> memref<128xf32, #tpu.memory_space<vmem>>
    %dma_start3A_85 = tpu.memref_slice %arg9[%add3A_80] : memref<16384xi32, #tpu.memory_space<vmem>> -> memref<128xi32, #tpu.memory_space<vmem>>
    %dma_start3A_86 = arith.constant 0 : i32
    %dma_start3A_87 = tpu.memref_slice %arg5[%dma_start3A_86] : memref<131072xf32, #tpu.memory_space<hbm>> -> memref<131072xf32, #tpu.memory_space<hbm>>
    tpu.enqueue_indirect_dma source(%dma_start3A_87 : memref<131072xf32, #tpu.memory_space<hbm>>) target(%dma_start3A_84 : memref<128xf32, #tpu.memory_space<vmem>>) offsets(%dma_start3A_85 : memref<128xi32, #tpu.memory_space<vmem>>) semaphore(%arg19 : memref<!tpu.dma_semaphore, #tpu.memory_space<semaphore_mem>>)
    %get3A = arith.constant 0 : index
    %get3A_88 = tpu.vector_load %arg17[%get3A] {strides = array<i32>} : memref<16xi32, #tpu.memory_space<vmem>>, vector<16xi32>,
    %iota3A = tpu.iota {dimensions = array<i32: 0>} : vector<16xi32>
    %add3A_89 = arith.constant 4096 : i32
    %add3A_90 = vector.broadcast %add3A_89 : i32 to vector<16xi32>
    %add3A_91 = arith.addi %add3A_90, %iota3A : vector<16xi32>
    %dma_wait3A = arith.constant 0 : i32
    %dma_wait3A_92 = tpu.memref_slice %arg10[%dma_wait3A] : memref<4112xi32, #tpu.memory_space<vmem>> -> memref<4096xi32, #tpu.memory_space<vmem>>
    %dma_wait3A_93 = tpu.memref_slice %arg4[%mul3A_2] : memref<131072xi32, #tpu.memory_space<hbm>> -> memref<4096xi32, #tpu.memory_space<hbm>>
    %dma_wait3A_94 = arith.constant 0 : i32
    %dma_wait3A_95 = tpu.memref_slice %arg10[%dma_wait3A_94] : memref<4112xi32, #tpu.memory_space<vmem>> -> memref<4096xi32, #tpu.memory_space<vmem>>
    %dma_wait3A_96 = tpu.memref_slice %arg4[%mul3A_2] : memref<131072xi32, #tpu.memory_space<hbm>> -> memref<4096xi32, #tpu.memory_space<hbm>>
    tpu.wait_dma2 semaphore(%arg18 : memref<!tpu.dma_semaphore, #tpu.memory_space<semaphore_mem>>) src(%dma_wait3A_96 : memref<4096xi32, #tpu.memory_space<hbm>>) dst(%dma_wait3A_95 : memref<4096xi32, #tpu.memory_space<vmem>>)
    %dma_wait3A_97 = arith.constant 0 : i32
    %dma_wait3A_98 = tpu.memref_slice %arg11[%dma_wait3A_97] : memref<4112xf32, #tpu.memory_space<vmem>> -> memref<4096xf32, #tpu.memory_space<vmem>>
    %dma_wait3A_99 = tpu.memref_slice %arg5[%mul3A_2] : memref<131072xf32, #tpu.memory_space<hbm>> -> memref<4096xf32, #tpu.memory_space<hbm>>
    %dma_wait3A_100 = arith.constant 0 : i32
    %dma_wait3A_101 = tpu.memref_slice %arg11[%dma_wait3A_100] : memref<4112xf32, #tpu.memory_space<vmem>> -> memref<4096xf32, #tpu.memory_space<vmem>>
    %dma_wait3A_102 = tpu.memref_slice %arg5[%mul3A_2] : memref<131072xf32, #tpu.memory_space<hbm>> -> memref<4096xf32, #tpu.memory_space<hbm>>
    tpu.wait_dma2 semaphore(%arg18 : memref<!tpu.dma_semaphore, #tpu.memory_space<semaphore_mem>>) src(%dma_wait3A_102 : memref<4096xf32, #tpu.memory_space<hbm>>) dst(%dma_wait3A_101 : memref<4096xf32, #tpu.memory_space<vmem>>)
    %parallel_loop3A = arith.constant 0 : i32
    %parallel_loop3A_103 = arith.constant 1024 : i32
    %parallel_loop3A_104 = arith.constant 1 : i32
    scf.for %parallel_loop3A_1080 = %parallel_loop3A to %parallel_loop3A_103 step %parallel_loop3A_104  : i32 {
      %parallel_loop3A_1081 = arith.constant 16 : i32
      %parallel_loop3A_1082 = arith.muli %parallel_loop3A_1080, %parallel_loop3A_1081 : i32
      %parallel_loop3A_1083 = arith.index_cast %parallel_loop3A_1082 : i32 to index
      %parallel_loop3A_1084 = tpu.vector_load %arg9[%parallel_loop3A_1083] {strides = array<i32>} : memref<16384xi32, #tpu.memory_space<vmem>>, vector<16xi32>,
      %parallel_loop3A_1085 = arith.constant 12 : i32
      %parallel_loop3A_1086 = vector.broadcast %parallel_loop3A_1085 : i32 to vector<16xi32>
      %parallel_loop3A_1087 = arith.shrsi %parallel_loop3A_1084, %parallel_loop3A_1086 : vector<16xi32>
      %parallel_loop3A_1088 = vector.broadcast %add3A : i32 to vector<16xi32>
      %parallel_loop3A_1089 = arith.cmpi eq, %parallel_loop3A_1087, %parallel_loop3A_1088 : vector<16xi32>
      %parallel_loop3A_1090 = vector.broadcast %mul3A_2 : i32 to vector<16xi32>
      %parallel_loop3A_1091 = arith.subi %parallel_loop3A_1084, %parallel_loop3A_1090 : vector<16xi32>
      %parallel_loop3A_1092 = arith.select %parallel_loop3A_1089, %parallel_loop3A_1091, %add3A_91 : vector<16xi1>, vector<16xi32>
      %parallel_loop3A_1093 = tpu.vector_load_idx %arg10[%parallel_loop3A_1092] : memref<4112xi32, #tpu.memory_space<vmem>>[vector<16xi32>], vector<16xi32>,
      %parallel_loop3A_1094 = tpu.vector_load_idx %arg11[%parallel_loop3A_1092] : memref<4112xf32, #tpu.memory_space<vmem>>[vector<16xi32>], vector<16xf32>,
      %parallel_loop3A_1095 = arith.subi %get3A_88, %parallel_loop3A_1093 : vector<16xi32>
      %parallel_loop3A_1096 = arith.sitofp %parallel_loop3A_1095 : vector<16xi32> to vector<16xf32>
      %parallel_loop3A_1097 = arith.constant 0 : i32
      %parallel_loop3A_1098 = vector.broadcast %parallel_loop3A_1097 : i32 to vector<16xi32>
      %parallel_loop3A_1099 = arith.cmpi eq, %parallel_loop3A_1093, %parallel_loop3A_1098 : vector<16xi32>
      %parallel_loop3A_1100 = arith.constant 1.000000e+00 : f32
      %parallel_loop3A_1101 = arith.constant 5.000000e-02 : f32
      %parallel_loop3A_1102 = vector.broadcast %parallel_loop3A_1100 : f32 to vector<16xf32>
      %parallel_loop3A_1103 = vector.broadcast %parallel_loop3A_1101 : f32 to vector<16xf32>
      %parallel_loop3A_1104 = arith.select %parallel_loop3A_1099, %parallel_loop3A_1102, %parallel_loop3A_1103 : vector<16xi1>, vector<16xf32>
      %parallel_loop3A_1105 = arith.constant 0.949999988 : f32
      %parallel_loop3A_1106 = vector.broadcast %parallel_loop3A_1105 : f32 to vector<16xf32>
      %parallel_loop3A_1107 = arith.mulf %parallel_loop3A_1106, %parallel_loop3A_1094 : vector<16xf32>
      %parallel_loop3A_1108 = arith.mulf %parallel_loop3A_1104, %parallel_loop3A_1096 : vector<16xf32>
      %parallel_loop3A_1109 = arith.addf %parallel_loop3A_1107, %parallel_loop3A_1108 : vector<16xf32>
      %parallel_loop3A_1110 = arith.index_cast %parallel_loop3A_1082 : i32 to index
      %parallel_loop3A_1111 = tpu.vector_load %arg12[%parallel_loop3A_1110] {strides = array<i32>} : memref<16384xf32, #tpu.memory_space<vmem>>, vector<16xf32>,
      tpu.vector_store %arg12[%parallel_loop3A_1110], %parallel_loop3A_1109 {strides = array<i32>} : memref<16384xf32, #tpu.memory_space<vmem>>, vector<16xf32>,
      %parallel_loop3A_1112 = arith.index_cast %parallel_loop3A_1082 : i32 to index
      %parallel_loop3A_1113 = tpu.vector_load %arg13[%parallel_loop3A_1112] {strides = array<i32>} : memref<16384xi32, #tpu.memory_space<vmem>>, vector<16xi32>,
      tpu.vector_store %arg13[%parallel_loop3A_1112], %parallel_loop3A_1092 {strides = array<i32>} : memref<16384xi32, #tpu.memory_space<vmem>>, vector<16xi32>,
    } {sc.loop_unroll_factor = 8 : i64, sc.parallel_access}
    %dma_wait3A_105 = arith.constant 0 : i32
    %dma_wait3A_106 = arith.constant 0 : i32
    %dma_wait3A_107 = tpu.memref_slice %arg14[%dma_wait3A_105, %dma_wait3A_106] : memref<4x128xi32, #tpu.memory_space<vmem>> -> memref<1x128xi32, #tpu.memory_space<vmem>>
    %dma_wait3A_108 = tpu.memref_squeeze %dma_wait3A_107 : memref<1x128xi32, #tpu.memory_space<vmem>> -> memref<128xi32, #tpu.memory_space<vmem>>
    %dma_wait3A_109 = tpu.memref_slice %arg9[%add3A_17] : memref<16384xi32, #tpu.memory_space<vmem>> -> memref<128xi32, #tpu.memory_space<vmem>>
    %dma_wait3A_110 = arith.constant 0 : i32
    %dma_wait3A_111 = tpu.memref_slice %arg4[%dma_wait3A_110] : memref<131072xi32, #tpu.memory_space<hbm>> -> memref<131072xi32, #tpu.memory_space<hbm>>
    tpu.wait_indirect_dma semaphore(%arg19 : memref<!tpu.dma_semaphore, #tpu.memory_space<semaphore_mem>>) src(%dma_wait3A_111 : memref<131072xi32, #tpu.memory_space<hbm>>) dst(%dma_wait3A_108 : memref<128xi32, #tpu.memory_space<vmem>>)
    %dma_wait3A_112 = arith.constant 0 : i32
    %dma_wait3A_113 = arith.constant 0 : i32
    %dma_wait3A_114 = tpu.memref_slice %arg15[%dma_wait3A_112, %dma_wait3A_113] : memref<4x128xf32, #tpu.memory_space<vmem>> -> memref<1x128xf32, #tpu.memory_space<vmem>>
    %dma_wait3A_115 = tpu.memref_squeeze %dma_wait3A_114 : memref<1x128xf32, #tpu.memory_space<vmem>> -> memref<128xf32, #tpu.memory_space<vmem>>
    %dma_wait3A_116 = tpu.memref_slice %arg9[%add3A_26] : memref<16384xi32, #tpu.memory_space<vmem>> -> memref<128xi32, #tpu.memory_space<vmem>>
    %dma_wait3A_117 = arith.constant 0 : i32
    %dma_wait3A_118 = tpu.memref_slice %arg5[%dma_wait3A_117] : memref<131072xf32, #tpu.memory_space<hbm>> -> memref<131072xf32, #tpu.memory_space<hbm>>
    tpu.wait_indirect_dma semaphore(%arg19 : memref<!tpu.dma_semaphore, #tpu.memory_space<semaphore_mem>>) src(%dma_wait3A_118 : memref<131072xf32, #tpu.memory_space<hbm>>) dst(%dma_wait3A_115 : memref<128xf32, #tpu.memory_space<vmem>>)
    %dma_wait3A_119 = arith.constant 1 : i32
    %dma_wait3A_120 = arith.constant 0 : i32
    %dma_wait3A_121 = tpu.memref_slice %arg14[%dma_wait3A_119, %dma_wait3A_120] : memref<4x128xi32, #tpu.memory_space<vmem>> -> memref<1x128xi32, #tpu.memory_space<vmem>>
    %dma_wait3A_122 = tpu.memref_squeeze %dma_wait3A_121 : memref<1x128xi32, #tpu.memory_space<vmem>> -> memref<128xi32, #tpu.memory_space<vmem>>
    %dma_wait3A_123 = tpu.memref_slice %arg9[%add3A_35] : memref<16384xi32, #tpu.memory_space<vmem>> -> memref<128xi32, #tpu.memory_space<vmem>>
    %dma_wait3A_124 = arith.constant 0 : i32
    %dma_wait3A_125 = tpu.memref_slice %arg4[%dma_wait3A_124] : memref<131072xi32, #tpu.memory_space<hbm>> -> memref<131072xi32, #tpu.memory_space<hbm>>
    tpu.wait_indirect_dma semaphore(%arg19 : memref<!tpu.dma_semaphore, #tpu.memory_space<semaphore_mem>>) src(%dma_wait3A_125 : memref<131072xi32, #tpu.memory_space<hbm>>) dst(%dma_wait3A_122 : memref<128xi32, #tpu.memory_space<vmem>>)
    %dma_wait3A_126 = arith.constant 1 : i32
    %dma_wait3A_127 = arith.constant 0 : i32
    %dma_wait3A_128 = tpu.memref_slice %arg15[%dma_wait3A_126, %dma_wait3A_127] : memref<4x128xf32, #tpu.memory_space<vmem>> -> memref<1x128xf32, #tpu.memory_space<vmem>>
    %dma_wait3A_129 = tpu.memref_squeeze %dma_wait3A_128 : memref<1x128xf32, #tpu.memory_space<vmem>> -> memref<128xf32, #tpu.memory_space<vmem>>
    %dma_wait3A_130 = tpu.memref_slice %arg9[%add3A_44] : memref<16384xi32, #tpu.memory_space<vmem>> -> memref<128xi32, #tpu.memory_space<vmem>>
    %dma_wait3A_131 = arith.constant 0 : i32
    %dma_wait3A_132 = tpu.memref_slice %arg5[%dma_wait3A_131] : memref<131072xf32, #tpu.memory_space<hbm>> -> memref<131072xf32, #tpu.memory_space<hbm>>
    tpu.wait_indirect_dma semaphore(%arg19 : memref<!tpu.dma_semaphore, #tpu.memory_space<semaphore_mem>>) src(%dma_wait3A_132 : memref<131072xf32, #tpu.memory_space<hbm>>) dst(%dma_wait3A_129 : memref<128xf32, #tpu.memory_space<vmem>>)
    %dma_wait3A_133 = arith.constant 2 : i32
    %dma_wait3A_134 = arith.constant 0 : i32
    %dma_wait3A_135 = tpu.memref_slice %arg14[%dma_wait3A_133, %dma_wait3A_134] : memref<4x128xi32, #tpu.memory_space<vmem>> -> memref<1x128xi32, #tpu.memory_space<vmem>>
    %dma_wait3A_136 = tpu.memref_squeeze %dma_wait3A_135 : memref<1x128xi32, #tpu.memory_space<vmem>> -> memref<128xi32, #tpu.memory_space<vmem>>
    %dma_wait3A_137 = tpu.memref_slice %arg9[%add3A_53] : memref<16384xi32, #tpu.memory_space<vmem>> -> memref<128xi32, #tpu.memory_space<vmem>>
    %dma_wait3A_138 = arith.constant 0 : i32
    %dma_wait3A_139 = tpu.memref_slice %arg4[%dma_wait3A_138] : memref<131072xi32, #tpu.memory_space<hbm>> -> memref<131072xi32, #tpu.memory_space<hbm>>
    tpu.wait_indirect_dma semaphore(%arg19 : memref<!tpu.dma_semaphore, #tpu.memory_space<semaphore_mem>>) src(%dma_wait3A_139 : memref<131072xi32, #tpu.memory_space<hbm>>) dst(%dma_wait3A_136 : memref<128xi32, #tpu.memory_space<vmem>>)
    %dma_wait3A_140 = arith.constant 2 : i32
    %dma_wait3A_141 = arith.constant 0 : i32
    %dma_wait3A_142 = tpu.memref_slice %arg15[%dma_wait3A_140, %dma_wait3A_141] : memref<4x128xf32, #tpu.memory_space<vmem>> -> memref<1x128xf32, #tpu.memory_space<vmem>>
    %dma_wait3A_143 = tpu.memref_squeeze %dma_wait3A_142 : memref<1x128xf32, #tpu.memory_space<vmem>> -> memref<128xf32, #tpu.memory_space<vmem>>
    %dma_wait3A_144 = tpu.memref_slice %arg9[%add3A_62] : memref<16384xi32, #tpu.memory_space<vmem>> -> memref<128xi32, #tpu.memory_space<vmem>>
    %dma_wait3A_145 = arith.constant 0 : i32
    %dma_wait3A_146 = tpu.memref_slice %arg5[%dma_wait3A_145] : memref<131072xf32, #tpu.memory_space<hbm>> -> memref<131072xf32, #tpu.memory_space<hbm>>
    tpu.wait_indirect_dma semaphore(%arg19 : memref<!tpu.dma_semaphore, #tpu.memory_space<semaphore_mem>>) src(%dma_wait3A_146 : memref<131072xf32, #tpu.memory_space<hbm>>) dst(%dma_wait3A_143 : memref<128xf32, #tpu.memory_space<vmem>>)
    %dma_wait3A_147 = arith.constant 3 : i32
    %dma_wait3A_148 = arith.constant 0 : i32
    %dma_wait3A_149 = tpu.memref_slice %arg14[%dma_wait3A_147, %dma_wait3A_148] : memref<4x128xi32, #tpu.memory_space<vmem>> -> memref<1x128xi32, #tpu.memory_space<vmem>>
    %dma_wait3A_150 = tpu.memref_squeeze %dma_wait3A_149 : memref<1x128xi32, #tpu.memory_space<vmem>> -> memref<128xi32, #tpu.memory_space<vmem>>
    %dma_wait3A_151 = tpu.memref_slice %arg9[%add3A_71] : memref<16384xi32, #tpu.memory_space<vmem>> -> memref<128xi32, #tpu.memory_space<vmem>>
    %dma_wait3A_152 = arith.constant 0 : i32
    %dma_wait3A_153 = tpu.memref_slice %arg4[%dma_wait3A_152] : memref<131072xi32, #tpu.memory_space<hbm>> -> memref<131072xi32, #tpu.memory_space<hbm>>
    tpu.wait_indirect_dma semaphore(%arg19 : memref<!tpu.dma_semaphore, #tpu.memory_space<semaphore_mem>>) src(%dma_wait3A_153 : memref<131072xi32, #tpu.memory_space<hbm>>) dst(%dma_wait3A_150 : memref<128xi32, #tpu.memory_space<vmem>>)
    %dma_wait3A_154 = arith.constant 3 : i32
    %dma_wait3A_155 = arith.constant 0 : i32
    %dma_wait3A_156 = tpu.memref_slice %arg15[%dma_wait3A_154, %dma_wait3A_155] : memref<4x128xf32, #tpu.memory_space<vmem>> -> memref<1x128xf32, #tpu.memory_space<vmem>>
    %dma_wait3A_157 = tpu.memref_squeeze %dma_wait3A_156 : memref<1x128xf32, #tpu.memory_space<vmem>> -> memref<128xf32, #tpu.memory_space<vmem>>
    %dma_wait3A_158 = tpu.memref_slice %arg9[%add3A_80] : memref<16384xi32, #tpu.memory_space<vmem>> -> memref<128xi32, #tpu.memory_space<vmem>>
    %dma_wait3A_159 = arith.constant 0 : i32
    %dma_wait3A_160 = tpu.memref_slice %arg5[%dma_wait3A_159] : memref<131072xf32, #tpu.memory_space<hbm>> -> memref<131072xf32, #tpu.memory_space<hbm>>
    tpu.wait_indirect_dma semaphore(%arg19 : memref<!tpu.dma_semaphore, #tpu.memory_space<semaphore_mem>>) src(%dma_wait3A_160 : memref<131072xf32, #tpu.memory_space<hbm>>) dst(%dma_wait3A_157 : memref<128xf32, #tpu.memory_space<vmem>>)
    %get3A_161 = arith.constant 0 : i32
    %get3A_162 = arith.index_cast %get3A_161 : i32 to index
    %get3A_163 = arith.constant 0 : index
    %get3A_164 = tpu.vector_load %arg14[%get3A_162, %get3A_163] {strides = array<i32>} : memref<4x128xi32, #tpu.memory_space<vmem>>, vector<16xi32>,
    %get3A_165 = arith.constant 0 : i32
    %get3A_166 = arith.index_cast %get3A_165 : i32 to index
    %get3A_167 = arith.constant 0 : index
    %get3A_168 = tpu.vector_load %arg15[%get3A_166, %get3A_167] {strides = array<i32>} : memref<4x128xf32, #tpu.memory_space<vmem>>, vector<16xf32>,
    %sub3A = arith.subi %get3A_88, %get3A_164 : vector<16xi32>
    %convert_element_type3A = arith.sitofp %sub3A : vector<16xi32> to vector<16xf32>
    %eq3A = arith.constant 0 : i32
    %eq3A_169 = vector.broadcast %eq3A : i32 to vector<16xi32>
    %eq3A_170 = arith.cmpi eq, %get3A_164, %eq3A_169 : vector<16xi32>
    %jit3A = arith.constant 1.000000e+00 : f32
    %jit3A_171 = arith.constant 5.000000e-02 : f32
    %broadcast_in_dim3A = vector.broadcast %jit3A : f32 to vector<16xf32>
    %broadcast_in_dim3A_172 = vector.broadcast %jit3A_171 : f32 to vector<16xf32>
    %select_n3A = arith.select %eq3A_170, %broadcast_in_dim3A, %broadcast_in_dim3A_172 : vector<16xi1>, vector<16xf32>
    %mul3A_173 = arith.constant 0.949999988 : f32
    %mul3A_174 = vector.broadcast %mul3A_173 : f32 to vector<16xf32>
    %mul3A_175 = arith.mulf %mul3A_174, %get3A_168 : vector<16xf32>
    %mul3A_176 = arith.mulf %select_n3A, %convert_element_type3A : vector<16xf32>
    %add3A_177 = arith.addf %mul3A_175, %mul3A_176 : vector<16xf32>
    %div3A = arith.constant 1.000000e+00 : f32
    %div3A_178 = vector.broadcast %div3A : f32 to vector<16xf32>
    %div3A_179 = arith.divf %div3A_178, %add3A_177 : vector<16xf32>
    %swap3A = arith.constant 0 : index
    %swap3A_180 = tpu.vector_load %arg16[%swap3A] {strides = array<i32>} : memref<512xf32, #tpu.memory_space<vmem>>, vector<16xf32>,
    tpu.vector_store %arg16[%swap3A], %div3A_179 {strides = array<i32>} : memref<512xf32, #tpu.memory_space<vmem>>, vector<16xf32>,
    %get3A_181 = arith.constant 0 : i32
    %get3A_182 = arith.index_cast %get3A_181 : i32 to index
    %get3A_183 = arith.constant 16 : index
    %get3A_184 = tpu.vector_load %arg14[%get3A_182, %get3A_183] {strides = array<i32>} : memref<4x128xi32, #tpu.memory_space<vmem>>, vector<16xi32>,
    %get3A_185 = arith.constant 0 : i32
    %get3A_186 = arith.index_cast %get3A_185 : i32 to index
    %get3A_187 = arith.constant 16 : index
    %get3A_188 = tpu.vector_load %arg15[%get3A_186, %get3A_187] {strides = array<i32>} : memref<4x128xf32, #tpu.memory_space<vmem>>, vector<16xf32>,
    %sub3A_189 = arith.subi %get3A_88, %get3A_184 : vector<16xi32>
    %convert_element_type3A_190 = arith.sitofp %sub3A_189 : vector<16xi32> to vector<16xf32>
    %eq3A_191 = arith.constant 0 : i32
    %eq3A_192 = vector.broadcast %eq3A_191 : i32 to vector<16xi32>
    %eq3A_193 = arith.cmpi eq, %get3A_184, %eq3A_192 : vector<16xi32>
    %jit3A_194 = arith.constant 1.000000e+00 : f32
    %jit3A_195 = arith.constant 5.000000e-02 : f32
    %broadcast_in_dim3A_196 = vector.broadcast %jit3A_194 : f32 to vector<16xf32>
    %broadcast_in_dim3A_197 = vector.broadcast %jit3A_195 : f32 to vector<16xf32>
    %select_n3A_198 = arith.select %eq3A_193, %broadcast_in_dim3A_196, %broadcast_in_dim3A_197 : vector<16xi1>, vector<16xf32>
    %mul3A_199 = arith.constant 0.949999988 : f32
    %mul3A_200 = vector.broadcast %mul3A_199 : f32 to vector<16xf32>
    %mul3A_201 = arith.mulf %mul3A_200, %get3A_188 : vector<16xf32>
    %mul3A_202 = arith.mulf %select_n3A_198, %convert_element_type3A_190 : vector<16xf32>
    %add3A_203 = arith.addf %mul3A_201, %mul3A_202 : vector<16xf32>
    %div3A_204 = arith.constant 1.000000e+00 : f32
    %div3A_205 = vector.broadcast %div3A_204 : f32 to vector<16xf32>
    %div3A_206 = arith.divf %div3A_205, %add3A_203 : vector<16xf32>
    %swap3A_207 = arith.constant 16 : index
    %swap3A_208 = tpu.vector_load %arg16[%swap3A_207] {strides = array<i32>} : memref<512xf32, #tpu.memory_space<vmem>>, vector<16xf32>,
    tpu.vector_store %arg16[%swap3A_207], %div3A_206 {strides = array<i32>} : memref<512xf32, #tpu.memory_space<vmem>>, vector<16xf32>,
    %get3A_209 = arith.constant 0 : i32
    %get3A_210 = arith.index_cast %get3A_209 : i32 to index
    %get3A_211 = arith.constant 32 : index
    %get3A_212 = tpu.vector_load %arg14[%get3A_210, %get3A_211] {strides = array<i32>} : memref<4x128xi32, #tpu.memory_space<vmem>>, vector<16xi32>,
    %get3A_213 = arith.constant 0 : i32
    %get3A_214 = arith.index_cast %get3A_213 : i32 to index
    %get3A_215 = arith.constant 32 : index
    %get3A_216 = tpu.vector_load %arg15[%get3A_214, %get3A_215] {strides = array<i32>} : memref<4x128xf32, #tpu.memory_space<vmem>>, vector<16xf32>,
    %sub3A_217 = arith.subi %get3A_88, %get3A_212 : vector<16xi32>
    %convert_element_type3A_218 = arith.sitofp %sub3A_217 : vector<16xi32> to vector<16xf32>
    %eq3A_219 = arith.constant 0 : i32
    %eq3A_220 = vector.broadcast %eq3A_219 : i32 to vector<16xi32>
    %eq3A_221 = arith.cmpi eq, %get3A_212, %eq3A_220 : vector<16xi32>
    %jit3A_222 = arith.constant 1.000000e+00 : f32
    %jit3A_223 = arith.constant 5.000000e-02 : f32
    %broadcast_in_dim3A_224 = vector.broadcast %jit3A_222 : f32 to vector<16xf32>
    %broadcast_in_dim3A_225 = vector.broadcast %jit3A_223 : f32 to vector<16xf32>
    %select_n3A_226 = arith.select %eq3A_221, %broadcast_in_dim3A_224, %broadcast_in_dim3A_225 : vector<16xi1>, vector<16xf32>
    %mul3A_227 = arith.constant 0.949999988 : f32
    %mul3A_228 = vector.broadcast %mul3A_227 : f32 to vector<16xf32>
    %mul3A_229 = arith.mulf %mul3A_228, %get3A_216 : vector<16xf32>
    %mul3A_230 = arith.mulf %select_n3A_226, %convert_element_type3A_218 : vector<16xf32>
    %add3A_231 = arith.addf %mul3A_229, %mul3A_230 : vector<16xf32>
    %div3A_232 = arith.constant 1.000000e+00 : f32
    %div3A_233 = vector.broadcast %div3A_232 : f32 to vector<16xf32>
    %div3A_234 = arith.divf %div3A_233, %add3A_231 : vector<16xf32>
    %swap3A_235 = arith.constant 32 : index
    %swap3A_236 = tpu.vector_load %arg16[%swap3A_235] {strides = array<i32>} : memref<512xf32, #tpu.memory_space<vmem>>, vector<16xf32>,
    tpu.vector_store %arg16[%swap3A_235], %div3A_234 {strides = array<i32>} : memref<512xf32, #tpu.memory_space<vmem>>, vector<16xf32>,
    %get3A_237 = arith.constant 0 : i32
    %get3A_238 = arith.index_cast %get3A_237 : i32 to index
    %get3A_239 = arith.constant 48 : index
    %get3A_240 = tpu.vector_load %arg14[%get3A_238, %get3A_239] {strides = array<i32>} : memref<4x128xi32, #tpu.memory_space<vmem>>, vector<16xi32>,
    %get3A_241 = arith.constant 0 : i32
    %get3A_242 = arith.index_cast %get3A_241 : i32 to index
    %get3A_243 = arith.constant 48 : index
    %get3A_244 = tpu.vector_load %arg15[%get3A_242, %get3A_243] {strides = array<i32>} : memref<4x128xf32, #tpu.memory_space<vmem>>, vector<16xf32>,
    %sub3A_245 = arith.subi %get3A_88, %get3A_240 : vector<16xi32>
    %convert_element_type3A_246 = arith.sitofp %sub3A_245 : vector<16xi32> to vector<16xf32>
    %eq3A_247 = arith.constant 0 : i32
    %eq3A_248 = vector.broadcast %eq3A_247 : i32 to vector<16xi32>
    %eq3A_249 = arith.cmpi eq, %get3A_240, %eq3A_248 : vector<16xi32>
    %jit3A_250 = arith.constant 1.000000e+00 : f32
    %jit3A_251 = arith.constant 5.000000e-02 : f32
    %broadcast_in_dim3A_252 = vector.broadcast %jit3A_250 : f32 to vector<16xf32>
    %broadcast_in_dim3A_253 = vector.broadcast %jit3A_251 : f32 to vector<16xf32>
    %select_n3A_254 = arith.select %eq3A_249, %broadcast_in_dim3A_252, %broadcast_in_dim3A_253 : vector<16xi1>, vector<16xf32>
    %mul3A_255 = arith.constant 0.949999988 : f32
    %mul3A_256 = vector.broadcast %mul3A_255 : f32 to vector<16xf32>
    %mul3A_257 = arith.mulf %mul3A_256, %get3A_244 : vector<16xf32>
    %mul3A_258 = arith.mulf %select_n3A_254, %convert_element_type3A_246 : vector<16xf32>
    %add3A_259 = arith.addf %mul3A_257, %mul3A_258 : vector<16xf32>
    %div3A_260 = arith.constant 1.000000e+00 : f32
    %div3A_261 = vector.broadcast %div3A_260 : f32 to vector<16xf32>
    %div3A_262 = arith.divf %div3A_261, %add3A_259 : vector<16xf32>
    %swap3A_263 = arith.constant 48 : index
    %swap3A_264 = tpu.vector_load %arg16[%swap3A_263] {strides = array<i32>} : memref<512xf32, #tpu.memory_space<vmem>>, vector<16xf32>,
    tpu.vector_store %arg16[%swap3A_263], %div3A_262 {strides = array<i32>} : memref<512xf32, #tpu.memory_space<vmem>>, vector<16xf32>,
    %get3A_265 = arith.constant 0 : i32
    %get3A_266 = arith.index_cast %get3A_265 : i32 to index
    %get3A_267 = arith.constant 64 : index
    %get3A_268 = tpu.vector_load %arg14[%get3A_266, %get3A_267] {strides = array<i32>} : memref<4x128xi32, #tpu.memory_space<vmem>>, vector<16xi32>,
    %get3A_269 = arith.constant 0 : i32
    %get3A_270 = arith.index_cast %get3A_269 : i32 to index
    %get3A_271 = arith.constant 64 : index
    %get3A_272 = tpu.vector_load %arg15[%get3A_270, %get3A_271] {strides = array<i32>} : memref<4x128xf32, #tpu.memory_space<vmem>>, vector<16xf32>,
    %sub3A_273 = arith.subi %get3A_88, %get3A_268 : vector<16xi32>
    %convert_element_type3A_274 = arith.sitofp %sub3A_273 : vector<16xi32> to vector<16xf32>
    %eq3A_275 = arith.constant 0 : i32
    %eq3A_276 = vector.broadcast %eq3A_275 : i32 to vector<16xi32>
    %eq3A_277 = arith.cmpi eq, %get3A_268, %eq3A_276 : vector<16xi32>
    %jit3A_278 = arith.constant 1.000000e+00 : f32
    %jit3A_279 = arith.constant 5.000000e-02 : f32
    %broadcast_in_dim3A_280 = vector.broadcast %jit3A_278 : f32 to vector<16xf32>
    %broadcast_in_dim3A_281 = vector.broadcast %jit3A_279 : f32 to vector<16xf32>
    %select_n3A_282 = arith.select %eq3A_277, %broadcast_in_dim3A_280, %broadcast_in_dim3A_281 : vector<16xi1>, vector<16xf32>
    %mul3A_283 = arith.constant 0.949999988 : f32
    %mul3A_284 = vector.broadcast %mul3A_283 : f32 to vector<16xf32>
    %mul3A_285 = arith.mulf %mul3A_284, %get3A_272 : vector<16xf32>
    %mul3A_286 = arith.mulf %select_n3A_282, %convert_element_type3A_274 : vector<16xf32>
    %add3A_287 = arith.addf %mul3A_285, %mul3A_286 : vector<16xf32>
    %div3A_288 = arith.constant 1.000000e+00 : f32
    %div3A_289 = vector.broadcast %div3A_288 : f32 to vector<16xf32>
    %div3A_290 = arith.divf %div3A_289, %add3A_287 : vector<16xf32>
    %swap3A_291 = arith.constant 64 : index
    %swap3A_292 = tpu.vector_load %arg16[%swap3A_291] {strides = array<i32>} : memref<512xf32, #tpu.memory_space<vmem>>, vector<16xf32>,
    tpu.vector_store %arg16[%swap3A_291], %div3A_290 {strides = array<i32>} : memref<512xf32, #tpu.memory_space<vmem>>, vector<16xf32>,
    %get3A_293 = arith.constant 0 : i32
    %get3A_294 = arith.index_cast %get3A_293 : i32 to index
    %get3A_295 = arith.constant 80 : index
    %get3A_296 = tpu.vector_load %arg14[%get3A_294, %get3A_295] {strides = array<i32>} : memref<4x128xi32, #tpu.memory_space<vmem>>, vector<16xi32>,
    %get3A_297 = arith.constant 0 : i32
    %get3A_298 = arith.index_cast %get3A_297 : i32 to index
    %get3A_299 = arith.constant 80 : index
    %get3A_300 = tpu.vector_load %arg15[%get3A_298, %get3A_299] {strides = array<i32>} : memref<4x128xf32, #tpu.memory_space<vmem>>, vector<16xf32>,
    %sub3A_301 = arith.subi %get3A_88, %get3A_296 : vector<16xi32>
    %convert_element_type3A_302 = arith.sitofp %sub3A_301 : vector<16xi32> to vector<16xf32>
    %eq3A_303 = arith.constant 0 : i32
    %eq3A_304 = vector.broadcast %eq3A_303 : i32 to vector<16xi32>
    %eq3A_305 = arith.cmpi eq, %get3A_296, %eq3A_304 : vector<16xi32>
    %jit3A_306 = arith.constant 1.000000e+00 : f32
    %jit3A_307 = arith.constant 5.000000e-02 : f32
    %broadcast_in_dim3A_308 = vector.broadcast %jit3A_306 : f32 to vector<16xf32>
    %broadcast_in_dim3A_309 = vector.broadcast %jit3A_307 : f32 to vector<16xf32>
    %select_n3A_310 = arith.select %eq3A_305, %broadcast_in_dim3A_308, %broadcast_in_dim3A_309 : vector<16xi1>, vector<16xf32>
    %mul3A_311 = arith.constant 0.949999988 : f32
    %mul3A_312 = vector.broadcast %mul3A_311 : f32 to vector<16xf32>
    %mul3A_313 = arith.mulf %mul3A_312, %get3A_300 : vector<16xf32>
    %mul3A_314 = arith.mulf %select_n3A_310, %convert_element_type3A_302 : vector<16xf32>
    %add3A_315 = arith.addf %mul3A_313, %mul3A_314 : vector<16xf32>
    %div3A_316 = arith.constant 1.000000e+00 : f32
    %div3A_317 = vector.broadcast %div3A_316 : f32 to vector<16xf32>
    %div3A_318 = arith.divf %div3A_317, %add3A_315 : vector<16xf32>
    %swap3A_319 = arith.constant 80 : index
    %swap3A_320 = tpu.vector_load %arg16[%swap3A_319] {strides = array<i32>} : memref<512xf32, #tpu.memory_space<vmem>>, vector<16xf32>,
    tpu.vector_store %arg16[%swap3A_319], %div3A_318 {strides = array<i32>} : memref<512xf32, #tpu.memory_space<vmem>>, vector<16xf32>,
    %get3A_321 = arith.constant 0 : i32
    %get3A_322 = arith.index_cast %get3A_321 : i32 to index
    %get3A_323 = arith.constant 96 : index
    %get3A_324 = tpu.vector_load %arg14[%get3A_322, %get3A_323] {strides = array<i32>} : memref<4x128xi32, #tpu.memory_space<vmem>>, vector<16xi32>,
    %get3A_325 = arith.constant 0 : i32
    %get3A_326 = arith.index_cast %get3A_325 : i32 to index
    %get3A_327 = arith.constant 96 : index
    %get3A_328 = tpu.vector_load %arg15[%get3A_326, %get3A_327] {strides = array<i32>} : memref<4x128xf32, #tpu.memory_space<vmem>>, vector<16xf32>,
    %sub3A_329 = arith.subi %get3A_88, %get3A_324 : vector<16xi32>
    %convert_element_type3A_330 = arith.sitofp %sub3A_329 : vector<16xi32> to vector<16xf32>
    %eq3A_331 = arith.constant 0 : i32
    %eq3A_332 = vector.broadcast %eq3A_331 : i32 to vector<16xi32>
    %eq3A_333 = arith.cmpi eq, %get3A_324, %eq3A_332 : vector<16xi32>
    %jit3A_334 = arith.constant 1.000000e+00 : f32
    %jit3A_335 = arith.constant 5.000000e-02 : f32
    %broadcast_in_dim3A_336 = vector.broadcast %jit3A_334 : f32 to vector<16xf32>
    %broadcast_in_dim3A_337 = vector.broadcast %jit3A_335 : f32 to vector<16xf32>
    %select_n3A_338 = arith.select %eq3A_333, %broadcast_in_dim3A_336, %broadcast_in_dim3A_337 : vector<16xi1>, vector<16xf32>
    %mul3A_339 = arith.constant 0.949999988 : f32
    %mul3A_340 = vector.broadcast %mul3A_339 : f32 to vector<16xf32>
    %mul3A_341 = arith.mulf %mul3A_340, %get3A_328 : vector<16xf32>
    %mul3A_342 = arith.mulf %select_n3A_338, %convert_element_type3A_330 : vector<16xf32>
    %add3A_343 = arith.addf %mul3A_341, %mul3A_342 : vector<16xf32>
    %div3A_344 = arith.constant 1.000000e+00 : f32
    %div3A_345 = vector.broadcast %div3A_344 : f32 to vector<16xf32>
    %div3A_346 = arith.divf %div3A_345, %add3A_343 : vector<16xf32>
    %swap3A_347 = arith.constant 96 : index
    %swap3A_348 = tpu.vector_load %arg16[%swap3A_347] {strides = array<i32>} : memref<512xf32, #tpu.memory_space<vmem>>, vector<16xf32>,
    tpu.vector_store %arg16[%swap3A_347], %div3A_346 {strides = array<i32>} : memref<512xf32, #tpu.memory_space<vmem>>, vector<16xf32>,
    %get3A_349 = arith.constant 0 : i32
    %get3A_350 = arith.index_cast %get3A_349 : i32 to index
    %get3A_351 = arith.constant 112 : index
    %get3A_352 = tpu.vector_load %arg14[%get3A_350, %get3A_351] {strides = array<i32>} : memref<4x128xi32, #tpu.memory_space<vmem>>, vector<16xi32>,
    %get3A_353 = arith.constant 0 : i32
    %get3A_354 = arith.index_cast %get3A_353 : i32 to index
    %get3A_355 = arith.constant 112 : index
    %get3A_356 = tpu.vector_load %arg15[%get3A_354, %get3A_355] {strides = array<i32>} : memref<4x128xf32, #tpu.memory_space<vmem>>, vector<16xf32>,
    %sub3A_357 = arith.subi %get3A_88, %get3A_352 : vector<16xi32>
    %convert_element_type3A_358 = arith.sitofp %sub3A_357 : vector<16xi32> to vector<16xf32>
    %eq3A_359 = arith.constant 0 : i32
    %eq3A_360 = vector.broadcast %eq3A_359 : i32 to vector<16xi32>
    %eq3A_361 = arith.cmpi eq, %get3A_352, %eq3A_360 : vector<16xi32>
    %jit3A_362 = arith.constant 1.000000e+00 : f32
    %jit3A_363 = arith.constant 5.000000e-02 : f32
    %broadcast_in_dim3A_364 = vector.broadcast %jit3A_362 : f32 to vector<16xf32>
    %broadcast_in_dim3A_365 = vector.broadcast %jit3A_363 : f32 to vector<16xf32>
    %select_n3A_366 = arith.select %eq3A_361, %broadcast_in_dim3A_364, %broadcast_in_dim3A_365 : vector<16xi1>, vector<16xf32>
    %mul3A_367 = arith.constant 0.949999988 : f32
    %mul3A_368 = vector.broadcast %mul3A_367 : f32 to vector<16xf32>
    %mul3A_369 = arith.mulf %mul3A_368, %get3A_356 : vector<16xf32>
    %mul3A_370 = arith.mulf %select_n3A_366, %convert_element_type3A_358 : vector<16xf32>
    %add3A_371 = arith.addf %mul3A_369, %mul3A_370 : vector<16xf32>
    %div3A_372 = arith.constant 1.000000e+00 : f32
    %div3A_373 = vector.broadcast %div3A_372 : f32 to vector<16xf32>
    %div3A_374 = arith.divf %div3A_373, %add3A_371 : vector<16xf32>
    %swap3A_375 = arith.constant 112 : index
    %swap3A_376 = tpu.vector_load %arg16[%swap3A_375] {strides = array<i32>} : memref<512xf32, #tpu.memory_space<vmem>>, vector<16xf32>,
    tpu.vector_store %arg16[%swap3A_375], %div3A_374 {strides = array<i32>} : memref<512xf32, #tpu.memory_space<vmem>>, vector<16xf32>,
    %get3A_377 = arith.constant 1 : i32
    %get3A_378 = arith.index_cast %get3A_377 : i32 to index
    %get3A_379 = arith.constant 0 : index
    %get3A_380 = tpu.vector_load %arg14[%get3A_378, %get3A_379] {strides = array<i32>} : memref<4x128xi32, #tpu.memory_space<vmem>>, vector<16xi32>,
    %get3A_381 = arith.constant 1 : i32
    %get3A_382 = arith.index_cast %get3A_381 : i32 to index
    %get3A_383 = arith.constant 0 : index
    %get3A_384 = tpu.vector_load %arg15[%get3A_382, %get3A_383] {strides = array<i32>} : memref<4x128xf32, #tpu.memory_space<vmem>>, vector<16xf32>,
    %sub3A_385 = arith.subi %get3A_88, %get3A_380 : vector<16xi32>
    %convert_element_type3A_386 = arith.sitofp %sub3A_385 : vector<16xi32> to vector<16xf32>
    %eq3A_387 = arith.constant 0 : i32
    %eq3A_388 = vector.broadcast %eq3A_387 : i32 to vector<16xi32>
    %eq3A_389 = arith.cmpi eq, %get3A_380, %eq3A_388 : vector<16xi32>
    %jit3A_390 = arith.constant 1.000000e+00 : f32
    %jit3A_391 = arith.constant 5.000000e-02 : f32
    %broadcast_in_dim3A_392 = vector.broadcast %jit3A_390 : f32 to vector<16xf32>
    %broadcast_in_dim3A_393 = vector.broadcast %jit3A_391 : f32 to vector<16xf32>
    %select_n3A_394 = arith.select %eq3A_389, %broadcast_in_dim3A_392, %broadcast_in_dim3A_393 : vector<16xi1>, vector<16xf32>
    %mul3A_395 = arith.constant 0.949999988 : f32
    %mul3A_396 = vector.broadcast %mul3A_395 : f32 to vector<16xf32>
    %mul3A_397 = arith.mulf %mul3A_396, %get3A_384 : vector<16xf32>
    %mul3A_398 = arith.mulf %select_n3A_394, %convert_element_type3A_386 : vector<16xf32>
    %add3A_399 = arith.addf %mul3A_397, %mul3A_398 : vector<16xf32>
    %div3A_400 = arith.constant 1.000000e+00 : f32
    %div3A_401 = vector.broadcast %div3A_400 : f32 to vector<16xf32>
    %div3A_402 = arith.divf %div3A_401, %add3A_399 : vector<16xf32>
    %swap3A_403 = arith.constant 128 : index
    %swap3A_404 = tpu.vector_load %arg16[%swap3A_403] {strides = array<i32>} : memref<512xf32, #tpu.memory_space<vmem>>, vector<16xf32>,
    tpu.vector_store %arg16[%swap3A_403], %div3A_402 {strides = array<i32>} : memref<512xf32, #tpu.memory_space<vmem>>, vector<16xf32>,
    %get3A_405 = arith.constant 1 : i32
    %get3A_406 = arith.index_cast %get3A_405 : i32 to index
    %get3A_407 = arith.constant 16 : index
    %get3A_408 = tpu.vector_load %arg14[%get3A_406, %get3A_407] {strides = array<i32>} : memref<4x128xi32, #tpu.memory_space<vmem>>, vector<16xi32>,
    %get3A_409 = arith.constant 1 : i32
    %get3A_410 = arith.index_cast %get3A_409 : i32 to index
    %get3A_411 = arith.constant 16 : index
    %get3A_412 = tpu.vector_load %arg15[%get3A_410, %get3A_411] {strides = array<i32>} : memref<4x128xf32, #tpu.memory_space<vmem>>, vector<16xf32>,
    %sub3A_413 = arith.subi %get3A_88, %get3A_408 : vector<16xi32>
    %convert_element_type3A_414 = arith.sitofp %sub3A_413 : vector<16xi32> to vector<16xf32>
    %eq3A_415 = arith.constant 0 : i32
    %eq3A_416 = vector.broadcast %eq3A_415 : i32 to vector<16xi32>
    %eq3A_417 = arith.cmpi eq, %get3A_408, %eq3A_416 : vector<16xi32>
    %jit3A_418 = arith.constant 1.000000e+00 : f32
    %jit3A_419 = arith.constant 5.000000e-02 : f32
    %broadcast_in_dim3A_420 = vector.broadcast %jit3A_418 : f32 to vector<16xf32>
    %broadcast_in_dim3A_421 = vector.broadcast %jit3A_419 : f32 to vector<16xf32>
    %select_n3A_422 = arith.select %eq3A_417, %broadcast_in_dim3A_420, %broadcast_in_dim3A_421 : vector<16xi1>, vector<16xf32>
    %mul3A_423 = arith.constant 0.949999988 : f32
    %mul3A_424 = vector.broadcast %mul3A_423 : f32 to vector<16xf32>
    %mul3A_425 = arith.mulf %mul3A_424, %get3A_412 : vector<16xf32>
    %mul3A_426 = arith.mulf %select_n3A_422, %convert_element_type3A_414 : vector<16xf32>
    %add3A_427 = arith.addf %mul3A_425, %mul3A_426 : vector<16xf32>
    %div3A_428 = arith.constant 1.000000e+00 : f32
    %div3A_429 = vector.broadcast %div3A_428 : f32 to vector<16xf32>
    %div3A_430 = arith.divf %div3A_429, %add3A_427 : vector<16xf32>
    %swap3A_431 = arith.constant 144 : index
    %swap3A_432 = tpu.vector_load %arg16[%swap3A_431] {strides = array<i32>} : memref<512xf32, #tpu.memory_space<vmem>>, vector<16xf32>,
    tpu.vector_store %arg16[%swap3A_431], %div3A_430 {strides = array<i32>} : memref<512xf32, #tpu.memory_space<vmem>>, vector<16xf32>,
    %get3A_433 = arith.constant 1 : i32
    %get3A_434 = arith.index_cast %get3A_433 : i32 to index
    %get3A_435 = arith.constant 32 : index
    %get3A_436 = tpu.vector_load %arg14[%get3A_434, %get3A_435] {strides = array<i32>} : memref<4x128xi32, #tpu.memory_space<vmem>>, vector<16xi32>,
    %get3A_437 = arith.constant 1 : i32
    %get3A_438 = arith.index_cast %get3A_437 : i32 to index
    %get3A_439 = arith.constant 32 : index
    %get3A_440 = tpu.vector_load %arg15[%get3A_438, %get3A_439] {strides = array<i32>} : memref<4x128xf32, #tpu.memory_space<vmem>>, vector<16xf32>,
    %sub3A_441 = arith.subi %get3A_88, %get3A_436 : vector<16xi32>
    %convert_element_type3A_442 = arith.sitofp %sub3A_441 : vector<16xi32> to vector<16xf32>
    %eq3A_443 = arith.constant 0 : i32
    %eq3A_444 = vector.broadcast %eq3A_443 : i32 to vector<16xi32>
    %eq3A_445 = arith.cmpi eq, %get3A_436, %eq3A_444 : vector<16xi32>
    %jit3A_446 = arith.constant 1.000000e+00 : f32
    %jit3A_447 = arith.constant 5.000000e-02 : f32
    %broadcast_in_dim3A_448 = vector.broadcast %jit3A_446 : f32 to vector<16xf32>
    %broadcast_in_dim3A_449 = vector.broadcast %jit3A_447 : f32 to vector<16xf32>
    %select_n3A_450 = arith.select %eq3A_445, %broadcast_in_dim3A_448, %broadcast_in_dim3A_449 : vector<16xi1>, vector<16xf32>
    %mul3A_451 = arith.constant 0.949999988 : f32
    %mul3A_452 = vector.broadcast %mul3A_451 : f32 to vector<16xf32>
    %mul3A_453 = arith.mulf %mul3A_452, %get3A_440 : vector<16xf32>
    %mul3A_454 = arith.mulf %select_n3A_450, %convert_element_type3A_442 : vector<16xf32>
    %add3A_455 = arith.addf %mul3A_453, %mul3A_454 : vector<16xf32>
    %div3A_456 = arith.constant 1.000000e+00 : f32
    %div3A_457 = vector.broadcast %div3A_456 : f32 to vector<16xf32>
    %div3A_458 = arith.divf %div3A_457, %add3A_455 : vector<16xf32>
    %swap3A_459 = arith.constant 160 : index
    %swap3A_460 = tpu.vector_load %arg16[%swap3A_459] {strides = array<i32>} : memref<512xf32, #tpu.memory_space<vmem>>, vector<16xf32>,
    tpu.vector_store %arg16[%swap3A_459], %div3A_458 {strides = array<i32>} : memref<512xf32, #tpu.memory_space<vmem>>, vector<16xf32>,
    %get3A_461 = arith.constant 1 : i32
    %get3A_462 = arith.index_cast %get3A_461 : i32 to index
    %get3A_463 = arith.constant 48 : index
    %get3A_464 = tpu.vector_load %arg14[%get3A_462, %get3A_463] {strides = array<i32>} : memref<4x128xi32, #tpu.memory_space<vmem>>, vector<16xi32>,
    %get3A_465 = arith.constant 1 : i32
    %get3A_466 = arith.index_cast %get3A_465 : i32 to index
    %get3A_467 = arith.constant 48 : index
    %get3A_468 = tpu.vector_load %arg15[%get3A_466, %get3A_467] {strides = array<i32>} : memref<4x128xf32, #tpu.memory_space<vmem>>, vector<16xf32>,
    %sub3A_469 = arith.subi %get3A_88, %get3A_464 : vector<16xi32>
    %convert_element_type3A_470 = arith.sitofp %sub3A_469 : vector<16xi32> to vector<16xf32>
    %eq3A_471 = arith.constant 0 : i32
    %eq3A_472 = vector.broadcast %eq3A_471 : i32 to vector<16xi32>
    %eq3A_473 = arith.cmpi eq, %get3A_464, %eq3A_472 : vector<16xi32>
    %jit3A_474 = arith.constant 1.000000e+00 : f32
    %jit3A_475 = arith.constant 5.000000e-02 : f32
    %broadcast_in_dim3A_476 = vector.broadcast %jit3A_474 : f32 to vector<16xf32>
    %broadcast_in_dim3A_477 = vector.broadcast %jit3A_475 : f32 to vector<16xf32>
    %select_n3A_478 = arith.select %eq3A_473, %broadcast_in_dim3A_476, %broadcast_in_dim3A_477 : vector<16xi1>, vector<16xf32>
    %mul3A_479 = arith.constant 0.949999988 : f32
    %mul3A_480 = vector.broadcast %mul3A_479 : f32 to vector<16xf32>
    %mul3A_481 = arith.mulf %mul3A_480, %get3A_468 : vector<16xf32>
    %mul3A_482 = arith.mulf %select_n3A_478, %convert_element_type3A_470 : vector<16xf32>
    %add3A_483 = arith.addf %mul3A_481, %mul3A_482 : vector<16xf32>
    %div3A_484 = arith.constant 1.000000e+00 : f32
    %div3A_485 = vector.broadcast %div3A_484 : f32 to vector<16xf32>
    %div3A_486 = arith.divf %div3A_485, %add3A_483 : vector<16xf32>
    %swap3A_487 = arith.constant 176 : index
    %swap3A_488 = tpu.vector_load %arg16[%swap3A_487] {strides = array<i32>} : memref<512xf32, #tpu.memory_space<vmem>>, vector<16xf32>,
    tpu.vector_store %arg16[%swap3A_487], %div3A_486 {strides = array<i32>} : memref<512xf32, #tpu.memory_space<vmem>>, vector<16xf32>,
    %get3A_489 = arith.constant 1 : i32
    %get3A_490 = arith.index_cast %get3A_489 : i32 to index
    %get3A_491 = arith.constant 64 : index
    %get3A_492 = tpu.vector_load %arg14[%get3A_490, %get3A_491] {strides = array<i32>} : memref<4x128xi32, #tpu.memory_space<vmem>>, vector<16xi32>,
    %get3A_493 = arith.constant 1 : i32
    %get3A_494 = arith.index_cast %get3A_493 : i32 to index
    %get3A_495 = arith.constant 64 : index
    %get3A_496 = tpu.vector_load %arg15[%get3A_494, %get3A_495] {strides = array<i32>} : memref<4x128xf32, #tpu.memory_space<vmem>>, vector<16xf32>,
    %sub3A_497 = arith.subi %get3A_88, %get3A_492 : vector<16xi32>
    %convert_element_type3A_498 = arith.sitofp %sub3A_497 : vector<16xi32> to vector<16xf32>
    %eq3A_499 = arith.constant 0 : i32
    %eq3A_500 = vector.broadcast %eq3A_499 : i32 to vector<16xi32>
    %eq3A_501 = arith.cmpi eq, %get3A_492, %eq3A_500 : vector<16xi32>
    %jit3A_502 = arith.constant 1.000000e+00 : f32
    %jit3A_503 = arith.constant 5.000000e-02 : f32
    %broadcast_in_dim3A_504 = vector.broadcast %jit3A_502 : f32 to vector<16xf32>
    %broadcast_in_dim3A_505 = vector.broadcast %jit3A_503 : f32 to vector<16xf32>
    %select_n3A_506 = arith.select %eq3A_501, %broadcast_in_dim3A_504, %broadcast_in_dim3A_505 : vector<16xi1>, vector<16xf32>
    %mul3A_507 = arith.constant 0.949999988 : f32
    %mul3A_508 = vector.broadcast %mul3A_507 : f32 to vector<16xf32>
    %mul3A_509 = arith.mulf %mul3A_508, %get3A_496 : vector<16xf32>
    %mul3A_510 = arith.mulf %select_n3A_506, %convert_element_type3A_498 : vector<16xf32>
    %add3A_511 = arith.addf %mul3A_509, %mul3A_510 : vector<16xf32>
    %div3A_512 = arith.constant 1.000000e+00 : f32
    %div3A_513 = vector.broadcast %div3A_512 : f32 to vector<16xf32>
    %div3A_514 = arith.divf %div3A_513, %add3A_511 : vector<16xf32>
    %swap3A_515 = arith.constant 192 : index
    %swap3A_516 = tpu.vector_load %arg16[%swap3A_515] {strides = array<i32>} : memref<512xf32, #tpu.memory_space<vmem>>, vector<16xf32>,
    tpu.vector_store %arg16[%swap3A_515], %div3A_514 {strides = array<i32>} : memref<512xf32, #tpu.memory_space<vmem>>, vector<16xf32>,
    %get3A_517 = arith.constant 1 : i32
    %get3A_518 = arith.index_cast %get3A_517 : i32 to index
    %get3A_519 = arith.constant 80 : index
    %get3A_520 = tpu.vector_load %arg14[%get3A_518, %get3A_519] {strides = array<i32>} : memref<4x128xi32, #tpu.memory_space<vmem>>, vector<16xi32>,
    %get3A_521 = arith.constant 1 : i32
    %get3A_522 = arith.index_cast %get3A_521 : i32 to index
    %get3A_523 = arith.constant 80 : index
    %get3A_524 = tpu.vector_load %arg15[%get3A_522, %get3A_523] {strides = array<i32>} : memref<4x128xf32, #tpu.memory_space<vmem>>, vector<16xf32>,
    %sub3A_525 = arith.subi %get3A_88, %get3A_520 : vector<16xi32>
    %convert_element_type3A_526 = arith.sitofp %sub3A_525 : vector<16xi32> to vector<16xf32>
    %eq3A_527 = arith.constant 0 : i32
    %eq3A_528 = vector.broadcast %eq3A_527 : i32 to vector<16xi32>
    %eq3A_529 = arith.cmpi eq, %get3A_520, %eq3A_528 : vector<16xi32>
    %jit3A_530 = arith.constant 1.000000e+00 : f32
    %jit3A_531 = arith.constant 5.000000e-02 : f32
    %broadcast_in_dim3A_532 = vector.broadcast %jit3A_530 : f32 to vector<16xf32>
    %broadcast_in_dim3A_533 = vector.broadcast %jit3A_531 : f32 to vector<16xf32>
    %select_n3A_534 = arith.select %eq3A_529, %broadcast_in_dim3A_532, %broadcast_in_dim3A_533 : vector<16xi1>, vector<16xf32>
    %mul3A_535 = arith.constant 0.949999988 : f32
    %mul3A_536 = vector.broadcast %mul3A_535 : f32 to vector<16xf32>
    %mul3A_537 = arith.mulf %mul3A_536, %get3A_524 : vector<16xf32>
    %mul3A_538 = arith.mulf %select_n3A_534, %convert_element_type3A_526 : vector<16xf32>
    %add3A_539 = arith.addf %mul3A_537, %mul3A_538 : vector<16xf32>
    %div3A_540 = arith.constant 1.000000e+00 : f32
    %div3A_541 = vector.broadcast %div3A_540 : f32 to vector<16xf32>
    %div3A_542 = arith.divf %div3A_541, %add3A_539 : vector<16xf32>
    %swap3A_543 = arith.constant 208 : index
    %swap3A_544 = tpu.vector_load %arg16[%swap3A_543] {strides = array<i32>} : memref<512xf32, #tpu.memory_space<vmem>>, vector<16xf32>,
    tpu.vector_store %arg16[%swap3A_543], %div3A_542 {strides = array<i32>} : memref<512xf32, #tpu.memory_space<vmem>>, vector<16xf32>,
    %get3A_545 = arith.constant 1 : i32
    %get3A_546 = arith.index_cast %get3A_545 : i32 to index
    %get3A_547 = arith.constant 96 : index
    %get3A_548 = tpu.vector_load %arg14[%get3A_546, %get3A_547] {strides = array<i32>} : memref<4x128xi32, #tpu.memory_space<vmem>>, vector<16xi32>,
    %get3A_549 = arith.constant 1 : i32
    %get3A_550 = arith.index_cast %get3A_549 : i32 to index
    %get3A_551 = arith.constant 96 : index
    %get3A_552 = tpu.vector_load %arg15[%get3A_550, %get3A_551] {strides = array<i32>} : memref<4x128xf32, #tpu.memory_space<vmem>>, vector<16xf32>,
    %sub3A_553 = arith.subi %get3A_88, %get3A_548 : vector<16xi32>
    %convert_element_type3A_554 = arith.sitofp %sub3A_553 : vector<16xi32> to vector<16xf32>
    %eq3A_555 = arith.constant 0 : i32
    %eq3A_556 = vector.broadcast %eq3A_555 : i32 to vector<16xi32>
    %eq3A_557 = arith.cmpi eq, %get3A_548, %eq3A_556 : vector<16xi32>
    %jit3A_558 = arith.constant 1.000000e+00 : f32
    %jit3A_559 = arith.constant 5.000000e-02 : f32
    %broadcast_in_dim3A_560 = vector.broadcast %jit3A_558 : f32 to vector<16xf32>
    %broadcast_in_dim3A_561 = vector.broadcast %jit3A_559 : f32 to vector<16xf32>
    %select_n3A_562 = arith.select %eq3A_557, %broadcast_in_dim3A_560, %broadcast_in_dim3A_561 : vector<16xi1>, vector<16xf32>
    %mul3A_563 = arith.constant 0.949999988 : f32
    %mul3A_564 = vector.broadcast %mul3A_563 : f32 to vector<16xf32>
    %mul3A_565 = arith.mulf %mul3A_564, %get3A_552 : vector<16xf32>
    %mul3A_566 = arith.mulf %select_n3A_562, %convert_element_type3A_554 : vector<16xf32>
    %add3A_567 = arith.addf %mul3A_565, %mul3A_566 : vector<16xf32>
    %div3A_568 = arith.constant 1.000000e+00 : f32
    %div3A_569 = vector.broadcast %div3A_568 : f32 to vector<16xf32>
    %div3A_570 = arith.divf %div3A_569, %add3A_567 : vector<16xf32>
    %swap3A_571 = arith.constant 224 : index
    %swap3A_572 = tpu.vector_load %arg16[%swap3A_571] {strides = array<i32>} : memref<512xf32, #tpu.memory_space<vmem>>, vector<16xf32>,
    tpu.vector_store %arg16[%swap3A_571], %div3A_570 {strides = array<i32>} : memref<512xf32, #tpu.memory_space<vmem>>, vector<16xf32>,
    %get3A_573 = arith.constant 1 : i32
    %get3A_574 = arith.index_cast %get3A_573 : i32 to index
    %get3A_575 = arith.constant 112 : index
    %get3A_576 = tpu.vector_load %arg14[%get3A_574, %get3A_575] {strides = array<i32>} : memref<4x128xi32, #tpu.memory_space<vmem>>, vector<16xi32>,
    %get3A_577 = arith.constant 1 : i32
    %get3A_578 = arith.index_cast %get3A_577 : i32 to index
    %get3A_579 = arith.constant 112 : index
    %get3A_580 = tpu.vector_load %arg15[%get3A_578, %get3A_579] {strides = array<i32>} : memref<4x128xf32, #tpu.memory_space<vmem>>, vector<16xf32>,
    %sub3A_581 = arith.subi %get3A_88, %get3A_576 : vector<16xi32>
    %convert_element_type3A_582 = arith.sitofp %sub3A_581 : vector<16xi32> to vector<16xf32>
    %eq3A_583 = arith.constant 0 : i32
    %eq3A_584 = vector.broadcast %eq3A_583 : i32 to vector<16xi32>
    %eq3A_585 = arith.cmpi eq, %get3A_576, %eq3A_584 : vector<16xi32>
    %jit3A_586 = arith.constant 1.000000e+00 : f32
    %jit3A_587 = arith.constant 5.000000e-02 : f32
    %broadcast_in_dim3A_588 = vector.broadcast %jit3A_586 : f32 to vector<16xf32>
    %broadcast_in_dim3A_589 = vector.broadcast %jit3A_587 : f32 to vector<16xf32>
    %select_n3A_590 = arith.select %eq3A_585, %broadcast_in_dim3A_588, %broadcast_in_dim3A_589 : vector<16xi1>, vector<16xf32>
    %mul3A_591 = arith.constant 0.949999988 : f32
    %mul3A_592 = vector.broadcast %mul3A_591 : f32 to vector<16xf32>
    %mul3A_593 = arith.mulf %mul3A_592, %get3A_580 : vector<16xf32>
    %mul3A_594 = arith.mulf %select_n3A_590, %convert_element_type3A_582 : vector<16xf32>
    %add3A_595 = arith.addf %mul3A_593, %mul3A_594 : vector<16xf32>
    %div3A_596 = arith.constant 1.000000e+00 : f32
    %div3A_597 = vector.broadcast %div3A_596 : f32 to vector<16xf32>
    %div3A_598 = arith.divf %div3A_597, %add3A_595 : vector<16xf32>
    %swap3A_599 = arith.constant 240 : index
    %swap3A_600 = tpu.vector_load %arg16[%swap3A_599] {strides = array<i32>} : memref<512xf32, #tpu.memory_space<vmem>>, vector<16xf32>,
    tpu.vector_store %arg16[%swap3A_599], %div3A_598 {strides = array<i32>} : memref<512xf32, #tpu.memory_space<vmem>>, vector<16xf32>,
    %get3A_601 = arith.constant 2 : i32
    %get3A_602 = arith.index_cast %get3A_601 : i32 to index
    %get3A_603 = arith.constant 0 : index
    %get3A_604 = tpu.vector_load %arg14[%get3A_602, %get3A_603] {strides = array<i32>} : memref<4x128xi32, #tpu.memory_space<vmem>>, vector<16xi32>,
    %get3A_605 = arith.constant 2 : i32
    %get3A_606 = arith.index_cast %get3A_605 : i32 to index
    %get3A_607 = arith.constant 0 : index
    %get3A_608 = tpu.vector_load %arg15[%get3A_606, %get3A_607] {strides = array<i32>} : memref<4x128xf32, #tpu.memory_space<vmem>>, vector<16xf32>,
    %sub3A_609 = arith.subi %get3A_88, %get3A_604 : vector<16xi32>
    %convert_element_type3A_610 = arith.sitofp %sub3A_609 : vector<16xi32> to vector<16xf32>
    %eq3A_611 = arith.constant 0 : i32
    %eq3A_612 = vector.broadcast %eq3A_611 : i32 to vector<16xi32>
    %eq3A_613 = arith.cmpi eq, %get3A_604, %eq3A_612 : vector<16xi32>
    %jit3A_614 = arith.constant 1.000000e+00 : f32
    %jit3A_615 = arith.constant 5.000000e-02 : f32
    %broadcast_in_dim3A_616 = vector.broadcast %jit3A_614 : f32 to vector<16xf32>
    %broadcast_in_dim3A_617 = vector.broadcast %jit3A_615 : f32 to vector<16xf32>
    %select_n3A_618 = arith.select %eq3A_613, %broadcast_in_dim3A_616, %broadcast_in_dim3A_617 : vector<16xi1>, vector<16xf32>
    %mul3A_619 = arith.constant 0.949999988 : f32
    %mul3A_620 = vector.broadcast %mul3A_619 : f32 to vector<16xf32>
    %mul3A_621 = arith.mulf %mul3A_620, %get3A_608 : vector<16xf32>
    %mul3A_622 = arith.mulf %select_n3A_618, %convert_element_type3A_610 : vector<16xf32>
    %add3A_623 = arith.addf %mul3A_621, %mul3A_622 : vector<16xf32>
    %div3A_624 = arith.constant 1.000000e+00 : f32
    %div3A_625 = vector.broadcast %div3A_624 : f32 to vector<16xf32>
    %div3A_626 = arith.divf %div3A_625, %add3A_623 : vector<16xf32>
    %swap3A_627 = arith.constant 256 : index
    %swap3A_628 = tpu.vector_load %arg16[%swap3A_627] {strides = array<i32>} : memref<512xf32, #tpu.memory_space<vmem>>, vector<16xf32>,
    tpu.vector_store %arg16[%swap3A_627], %div3A_626 {strides = array<i32>} : memref<512xf32, #tpu.memory_space<vmem>>, vector<16xf32>,
    %get3A_629 = arith.constant 2 : i32
    %get3A_630 = arith.index_cast %get3A_629 : i32 to index
    %get3A_631 = arith.constant 16 : index
    %get3A_632 = tpu.vector_load %arg14[%get3A_630, %get3A_631] {strides = array<i32>} : memref<4x128xi32, #tpu.memory_space<vmem>>, vector<16xi32>,
    %get3A_633 = arith.constant 2 : i32
    %get3A_634 = arith.index_cast %get3A_633 : i32 to index
    %get3A_635 = arith.constant 16 : index
    %get3A_636 = tpu.vector_load %arg15[%get3A_634, %get3A_635] {strides = array<i32>} : memref<4x128xf32, #tpu.memory_space<vmem>>, vector<16xf32>,
    %sub3A_637 = arith.subi %get3A_88, %get3A_632 : vector<16xi32>
    %convert_element_type3A_638 = arith.sitofp %sub3A_637 : vector<16xi32> to vector<16xf32>
    %eq3A_639 = arith.constant 0 : i32
    %eq3A_640 = vector.broadcast %eq3A_639 : i32 to vector<16xi32>
    %eq3A_641 = arith.cmpi eq, %get3A_632, %eq3A_640 : vector<16xi32>
    %jit3A_642 = arith.constant 1.000000e+00 : f32
    %jit3A_643 = arith.constant 5.000000e-02 : f32
    %broadcast_in_dim3A_644 = vector.broadcast %jit3A_642 : f32 to vector<16xf32>
    %broadcast_in_dim3A_645 = vector.broadcast %jit3A_643 : f32 to vector<16xf32>
    %select_n3A_646 = arith.select %eq3A_641, %broadcast_in_dim3A_644, %broadcast_in_dim3A_645 : vector<16xi1>, vector<16xf32>
    %mul3A_647 = arith.constant 0.949999988 : f32
    %mul3A_648 = vector.broadcast %mul3A_647 : f32 to vector<16xf32>
    %mul3A_649 = arith.mulf %mul3A_648, %get3A_636 : vector<16xf32>
    %mul3A_650 = arith.mulf %select_n3A_646, %convert_element_type3A_638 : vector<16xf32>
    %add3A_651 = arith.addf %mul3A_649, %mul3A_650 : vector<16xf32>
    %div3A_652 = arith.constant 1.000000e+00 : f32
    %div3A_653 = vector.broadcast %div3A_652 : f32 to vector<16xf32>
    %div3A_654 = arith.divf %div3A_653, %add3A_651 : vector<16xf32>
    %swap3A_655 = arith.constant 272 : index
    %swap3A_656 = tpu.vector_load %arg16[%swap3A_655] {strides = array<i32>} : memref<512xf32, #tpu.memory_space<vmem>>, vector<16xf32>,
    tpu.vector_store %arg16[%swap3A_655], %div3A_654 {strides = array<i32>} : memref<512xf32, #tpu.memory_space<vmem>>, vector<16xf32>,
    %get3A_657 = arith.constant 2 : i32
    %get3A_658 = arith.index_cast %get3A_657 : i32 to index
    %get3A_659 = arith.constant 32 : index
    %get3A_660 = tpu.vector_load %arg14[%get3A_658, %get3A_659] {strides = array<i32>} : memref<4x128xi32, #tpu.memory_space<vmem>>, vector<16xi32>,
    %get3A_661 = arith.constant 2 : i32
    %get3A_662 = arith.index_cast %get3A_661 : i32 to index
    %get3A_663 = arith.constant 32 : index
    %get3A_664 = tpu.vector_load %arg15[%get3A_662, %get3A_663] {strides = array<i32>} : memref<4x128xf32, #tpu.memory_space<vmem>>, vector<16xf32>,
    %sub3A_665 = arith.subi %get3A_88, %get3A_660 : vector<16xi32>
    %convert_element_type3A_666 = arith.sitofp %sub3A_665 : vector<16xi32> to vector<16xf32>
    %eq3A_667 = arith.constant 0 : i32
    %eq3A_668 = vector.broadcast %eq3A_667 : i32 to vector<16xi32>
    %eq3A_669 = arith.cmpi eq, %get3A_660, %eq3A_668 : vector<16xi32>
    %jit3A_670 = arith.constant 1.000000e+00 : f32
    %jit3A_671 = arith.constant 5.000000e-02 : f32
    %broadcast_in_dim3A_672 = vector.broadcast %jit3A_670 : f32 to vector<16xf32>
    %broadcast_in_dim3A_673 = vector.broadcast %jit3A_671 : f32 to vector<16xf32>
    %select_n3A_674 = arith.select %eq3A_669, %broadcast_in_dim3A_672, %broadcast_in_dim3A_673 : vector<16xi1>, vector<16xf32>
    %mul3A_675 = arith.constant 0.949999988 : f32
    %mul3A_676 = vector.broadcast %mul3A_675 : f32 to vector<16xf32>
    %mul3A_677 = arith.mulf %mul3A_676, %get3A_664 : vector<16xf32>
    %mul3A_678 = arith.mulf %select_n3A_674, %convert_element_type3A_666 : vector<16xf32>
    %add3A_679 = arith.addf %mul3A_677, %mul3A_678 : vector<16xf32>
    %div3A_680 = arith.constant 1.000000e+00 : f32
    %div3A_681 = vector.broadcast %div3A_680 : f32 to vector<16xf32>
    %div3A_682 = arith.divf %div3A_681, %add3A_679 : vector<16xf32>
    %swap3A_683 = arith.constant 288 : index
    %swap3A_684 = tpu.vector_load %arg16[%swap3A_683] {strides = array<i32>} : memref<512xf32, #tpu.memory_space<vmem>>, vector<16xf32>,
    tpu.vector_store %arg16[%swap3A_683], %div3A_682 {strides = array<i32>} : memref<512xf32, #tpu.memory_space<vmem>>, vector<16xf32>,
    %get3A_685 = arith.constant 2 : i32
    %get3A_686 = arith.index_cast %get3A_685 : i32 to index
    %get3A_687 = arith.constant 48 : index
    %get3A_688 = tpu.vector_load %arg14[%get3A_686, %get3A_687] {strides = array<i32>} : memref<4x128xi32, #tpu.memory_space<vmem>>, vector<16xi32>,
    %get3A_689 = arith.constant 2 : i32
    %get3A_690 = arith.index_cast %get3A_689 : i32 to index
    %get3A_691 = arith.constant 48 : index
    %get3A_692 = tpu.vector_load %arg15[%get3A_690, %get3A_691] {strides = array<i32>} : memref<4x128xf32, #tpu.memory_space<vmem>>, vector<16xf32>,
    %sub3A_693 = arith.subi %get3A_88, %get3A_688 : vector<16xi32>
    %convert_element_type3A_694 = arith.sitofp %sub3A_693 : vector<16xi32> to vector<16xf32>
    %eq3A_695 = arith.constant 0 : i32
    %eq3A_696 = vector.broadcast %eq3A_695 : i32 to vector<16xi32>
    %eq3A_697 = arith.cmpi eq, %get3A_688, %eq3A_696 : vector<16xi32>
    %jit3A_698 = arith.constant 1.000000e+00 : f32
    %jit3A_699 = arith.constant 5.000000e-02 : f32
    %broadcast_in_dim3A_700 = vector.broadcast %jit3A_698 : f32 to vector<16xf32>
    %broadcast_in_dim3A_701 = vector.broadcast %jit3A_699 : f32 to vector<16xf32>
    %select_n3A_702 = arith.select %eq3A_697, %broadcast_in_dim3A_700, %broadcast_in_dim3A_701 : vector<16xi1>, vector<16xf32>
    %mul3A_703 = arith.constant 0.949999988 : f32
    %mul3A_704 = vector.broadcast %mul3A_703 : f32 to vector<16xf32>
    %mul3A_705 = arith.mulf %mul3A_704, %get3A_692 : vector<16xf32>
    %mul3A_706 = arith.mulf %select_n3A_702, %convert_element_type3A_694 : vector<16xf32>
    %add3A_707 = arith.addf %mul3A_705, %mul3A_706 : vector<16xf32>
    %div3A_708 = arith.constant 1.000000e+00 : f32
    %div3A_709 = vector.broadcast %div3A_708 : f32 to vector<16xf32>
    %div3A_710 = arith.divf %div3A_709, %add3A_707 : vector<16xf32>
    %swap3A_711 = arith.constant 304 : index
    %swap3A_712 = tpu.vector_load %arg16[%swap3A_711] {strides = array<i32>} : memref<512xf32, #tpu.memory_space<vmem>>, vector<16xf32>,
    tpu.vector_store %arg16[%swap3A_711], %div3A_710 {strides = array<i32>} : memref<512xf32, #tpu.memory_space<vmem>>, vector<16xf32>,
    %get3A_713 = arith.constant 2 : i32
    %get3A_714 = arith.index_cast %get3A_713 : i32 to index
    %get3A_715 = arith.constant 64 : index
    %get3A_716 = tpu.vector_load %arg14[%get3A_714, %get3A_715] {strides = array<i32>} : memref<4x128xi32, #tpu.memory_space<vmem>>, vector<16xi32>,
    %get3A_717 = arith.constant 2 : i32
    %get3A_718 = arith.index_cast %get3A_717 : i32 to index
    %get3A_719 = arith.constant 64 : index
    %get3A_720 = tpu.vector_load %arg15[%get3A_718, %get3A_719] {strides = array<i32>} : memref<4x128xf32, #tpu.memory_space<vmem>>, vector<16xf32>,
    %sub3A_721 = arith.subi %get3A_88, %get3A_716 : vector<16xi32>
    %convert_element_type3A_722 = arith.sitofp %sub3A_721 : vector<16xi32> to vector<16xf32>
    %eq3A_723 = arith.constant 0 : i32
    %eq3A_724 = vector.broadcast %eq3A_723 : i32 to vector<16xi32>
    %eq3A_725 = arith.cmpi eq, %get3A_716, %eq3A_724 : vector<16xi32>
    %jit3A_726 = arith.constant 1.000000e+00 : f32
    %jit3A_727 = arith.constant 5.000000e-02 : f32
    %broadcast_in_dim3A_728 = vector.broadcast %jit3A_726 : f32 to vector<16xf32>
    %broadcast_in_dim3A_729 = vector.broadcast %jit3A_727 : f32 to vector<16xf32>
    %select_n3A_730 = arith.select %eq3A_725, %broadcast_in_dim3A_728, %broadcast_in_dim3A_729 : vector<16xi1>, vector<16xf32>
    %mul3A_731 = arith.constant 0.949999988 : f32
    %mul3A_732 = vector.broadcast %mul3A_731 : f32 to vector<16xf32>
    %mul3A_733 = arith.mulf %mul3A_732, %get3A_720 : vector<16xf32>
    %mul3A_734 = arith.mulf %select_n3A_730, %convert_element_type3A_722 : vector<16xf32>
    %add3A_735 = arith.addf %mul3A_733, %mul3A_734 : vector<16xf32>
    %div3A_736 = arith.constant 1.000000e+00 : f32
    %div3A_737 = vector.broadcast %div3A_736 : f32 to vector<16xf32>
    %div3A_738 = arith.divf %div3A_737, %add3A_735 : vector<16xf32>
    %swap3A_739 = arith.constant 320 : index
    %swap3A_740 = tpu.vector_load %arg16[%swap3A_739] {strides = array<i32>} : memref<512xf32, #tpu.memory_space<vmem>>, vector<16xf32>,
    tpu.vector_store %arg16[%swap3A_739], %div3A_738 {strides = array<i32>} : memref<512xf32, #tpu.memory_space<vmem>>, vector<16xf32>,
    %get3A_741 = arith.constant 2 : i32
    %get3A_742 = arith.index_cast %get3A_741 : i32 to index
    %get3A_743 = arith.constant 80 : index
    %get3A_744 = tpu.vector_load %arg14[%get3A_742, %get3A_743] {strides = array<i32>} : memref<4x128xi32, #tpu.memory_space<vmem>>, vector<16xi32>,
    %get3A_745 = arith.constant 2 : i32
    %get3A_746 = arith.index_cast %get3A_745 : i32 to index
    %get3A_747 = arith.constant 80 : index
    %get3A_748 = tpu.vector_load %arg15[%get3A_746, %get3A_747] {strides = array<i32>} : memref<4x128xf32, #tpu.memory_space<vmem>>, vector<16xf32>,
    %sub3A_749 = arith.subi %get3A_88, %get3A_744 : vector<16xi32>
    %convert_element_type3A_750 = arith.sitofp %sub3A_749 : vector<16xi32> to vector<16xf32>
    %eq3A_751 = arith.constant 0 : i32
    %eq3A_752 = vector.broadcast %eq3A_751 : i32 to vector<16xi32>
    %eq3A_753 = arith.cmpi eq, %get3A_744, %eq3A_752 : vector<16xi32>
    %jit3A_754 = arith.constant 1.000000e+00 : f32
    %jit3A_755 = arith.constant 5.000000e-02 : f32
    %broadcast_in_dim3A_756 = vector.broadcast %jit3A_754 : f32 to vector<16xf32>
    %broadcast_in_dim3A_757 = vector.broadcast %jit3A_755 : f32 to vector<16xf32>
    %select_n3A_758 = arith.select %eq3A_753, %broadcast_in_dim3A_756, %broadcast_in_dim3A_757 : vector<16xi1>, vector<16xf32>
    %mul3A_759 = arith.constant 0.949999988 : f32
    %mul3A_760 = vector.broadcast %mul3A_759 : f32 to vector<16xf32>
    %mul3A_761 = arith.mulf %mul3A_760, %get3A_748 : vector<16xf32>
    %mul3A_762 = arith.mulf %select_n3A_758, %convert_element_type3A_750 : vector<16xf32>
    %add3A_763 = arith.addf %mul3A_761, %mul3A_762 : vector<16xf32>
    %div3A_764 = arith.constant 1.000000e+00 : f32
    %div3A_765 = vector.broadcast %div3A_764 : f32 to vector<16xf32>
    %div3A_766 = arith.divf %div3A_765, %add3A_763 : vector<16xf32>
    %swap3A_767 = arith.constant 336 : index
    %swap3A_768 = tpu.vector_load %arg16[%swap3A_767] {strides = array<i32>} : memref<512xf32, #tpu.memory_space<vmem>>, vector<16xf32>,
    tpu.vector_store %arg16[%swap3A_767], %div3A_766 {strides = array<i32>} : memref<512xf32, #tpu.memory_space<vmem>>, vector<16xf32>,
    %get3A_769 = arith.constant 2 : i32
    %get3A_770 = arith.index_cast %get3A_769 : i32 to index
    %get3A_771 = arith.constant 96 : index
    %get3A_772 = tpu.vector_load %arg14[%get3A_770, %get3A_771] {strides = array<i32>} : memref<4x128xi32, #tpu.memory_space<vmem>>, vector<16xi32>,
    %get3A_773 = arith.constant 2 : i32
    %get3A_774 = arith.index_cast %get3A_773 : i32 to index
    %get3A_775 = arith.constant 96 : index
    %get3A_776 = tpu.vector_load %arg15[%get3A_774, %get3A_775] {strides = array<i32>} : memref<4x128xf32, #tpu.memory_space<vmem>>, vector<16xf32>,
    %sub3A_777 = arith.subi %get3A_88, %get3A_772 : vector<16xi32>
    %convert_element_type3A_778 = arith.sitofp %sub3A_777 : vector<16xi32> to vector<16xf32>
    %eq3A_779 = arith.constant 0 : i32
    %eq3A_780 = vector.broadcast %eq3A_779 : i32 to vector<16xi32>
    %eq3A_781 = arith.cmpi eq, %get3A_772, %eq3A_780 : vector<16xi32>
    %jit3A_782 = arith.constant 1.000000e+00 : f32
    %jit3A_783 = arith.constant 5.000000e-02 : f32
    %broadcast_in_dim3A_784 = vector.broadcast %jit3A_782 : f32 to vector<16xf32>
    %broadcast_in_dim3A_785 = vector.broadcast %jit3A_783 : f32 to vector<16xf32>
    %select_n3A_786 = arith.select %eq3A_781, %broadcast_in_dim3A_784, %broadcast_in_dim3A_785 : vector<16xi1>, vector<16xf32>
    %mul3A_787 = arith.constant 0.949999988 : f32
    %mul3A_788 = vector.broadcast %mul3A_787 : f32 to vector<16xf32>
    %mul3A_789 = arith.mulf %mul3A_788, %get3A_776 : vector<16xf32>
    %mul3A_790 = arith.mulf %select_n3A_786, %convert_element_type3A_778 : vector<16xf32>
    %add3A_791 = arith.addf %mul3A_789, %mul3A_790 : vector<16xf32>
    %div3A_792 = arith.constant 1.000000e+00 : f32
    %div3A_793 = vector.broadcast %div3A_792 : f32 to vector<16xf32>
    %div3A_794 = arith.divf %div3A_793, %add3A_791 : vector<16xf32>
    %swap3A_795 = arith.constant 352 : index
    %swap3A_796 = tpu.vector_load %arg16[%swap3A_795] {strides = array<i32>} : memref<512xf32, #tpu.memory_space<vmem>>, vector<16xf32>,
    tpu.vector_store %arg16[%swap3A_795], %div3A_794 {strides = array<i32>} : memref<512xf32, #tpu.memory_space<vmem>>, vector<16xf32>,
    %get3A_797 = arith.constant 2 : i32
    %get3A_798 = arith.index_cast %get3A_797 : i32 to index
    %get3A_799 = arith.constant 112 : index
    %get3A_800 = tpu.vector_load %arg14[%get3A_798, %get3A_799] {strides = array<i32>} : memref<4x128xi32, #tpu.memory_space<vmem>>, vector<16xi32>,
    %get3A_801 = arith.constant 2 : i32
    %get3A_802 = arith.index_cast %get3A_801 : i32 to index
    %get3A_803 = arith.constant 112 : index
    %get3A_804 = tpu.vector_load %arg15[%get3A_802, %get3A_803] {strides = array<i32>} : memref<4x128xf32, #tpu.memory_space<vmem>>, vector<16xf32>,
    %sub3A_805 = arith.subi %get3A_88, %get3A_800 : vector<16xi32>
    %convert_element_type3A_806 = arith.sitofp %sub3A_805 : vector<16xi32> to vector<16xf32>
    %eq3A_807 = arith.constant 0 : i32
    %eq3A_808 = vector.broadcast %eq3A_807 : i32 to vector<16xi32>
    %eq3A_809 = arith.cmpi eq, %get3A_800, %eq3A_808 : vector<16xi32>
    %jit3A_810 = arith.constant 1.000000e+00 : f32
    %jit3A_811 = arith.constant 5.000000e-02 : f32
    %broadcast_in_dim3A_812 = vector.broadcast %jit3A_810 : f32 to vector<16xf32>
    %broadcast_in_dim3A_813 = vector.broadcast %jit3A_811 : f32 to vector<16xf32>
    %select_n3A_814 = arith.select %eq3A_809, %broadcast_in_dim3A_812, %broadcast_in_dim3A_813 : vector<16xi1>, vector<16xf32>
    %mul3A_815 = arith.constant 0.949999988 : f32
    %mul3A_816 = vector.broadcast %mul3A_815 : f32 to vector<16xf32>
    %mul3A_817 = arith.mulf %mul3A_816, %get3A_804 : vector<16xf32>
    %mul3A_818 = arith.mulf %select_n3A_814, %convert_element_type3A_806 : vector<16xf32>
    %add3A_819 = arith.addf %mul3A_817, %mul3A_818 : vector<16xf32>
    %div3A_820 = arith.constant 1.000000e+00 : f32
    %div3A_821 = vector.broadcast %div3A_820 : f32 to vector<16xf32>
    %div3A_822 = arith.divf %div3A_821, %add3A_819 : vector<16xf32>
    %swap3A_823 = arith.constant 368 : index
    %swap3A_824 = tpu.vector_load %arg16[%swap3A_823] {strides = array<i32>} : memref<512xf32, #tpu.memory_space<vmem>>, vector<16xf32>,
    tpu.vector_store %arg16[%swap3A_823], %div3A_822 {strides = array<i32>} : memref<512xf32, #tpu.memory_space<vmem>>, vector<16xf32>,
    %get3A_825 = arith.constant 3 : i32
    %get3A_826 = arith.index_cast %get3A_825 : i32 to index
    %get3A_827 = arith.constant 0 : index
    %get3A_828 = tpu.vector_load %arg14[%get3A_826, %get3A_827] {strides = array<i32>} : memref<4x128xi32, #tpu.memory_space<vmem>>, vector<16xi32>,
    %get3A_829 = arith.constant 3 : i32
    %get3A_830 = arith.index_cast %get3A_829 : i32 to index
    %get3A_831 = arith.constant 0 : index
    %get3A_832 = tpu.vector_load %arg15[%get3A_830, %get3A_831] {strides = array<i32>} : memref<4x128xf32, #tpu.memory_space<vmem>>, vector<16xf32>,
    %sub3A_833 = arith.subi %get3A_88, %get3A_828 : vector<16xi32>
    %convert_element_type3A_834 = arith.sitofp %sub3A_833 : vector<16xi32> to vector<16xf32>
    %eq3A_835 = arith.constant 0 : i32
    %eq3A_836 = vector.broadcast %eq3A_835 : i32 to vector<16xi32>
    %eq3A_837 = arith.cmpi eq, %get3A_828, %eq3A_836 : vector<16xi32>
    %jit3A_838 = arith.constant 1.000000e+00 : f32
    %jit3A_839 = arith.constant 5.000000e-02 : f32
    %broadcast_in_dim3A_840 = vector.broadcast %jit3A_838 : f32 to vector<16xf32>
    %broadcast_in_dim3A_841 = vector.broadcast %jit3A_839 : f32 to vector<16xf32>
    %select_n3A_842 = arith.select %eq3A_837, %broadcast_in_dim3A_840, %broadcast_in_dim3A_841 : vector<16xi1>, vector<16xf32>
    %mul3A_843 = arith.constant 0.949999988 : f32
    %mul3A_844 = vector.broadcast %mul3A_843 : f32 to vector<16xf32>
    %mul3A_845 = arith.mulf %mul3A_844, %get3A_832 : vector<16xf32>
    %mul3A_846 = arith.mulf %select_n3A_842, %convert_element_type3A_834 : vector<16xf32>
    %add3A_847 = arith.addf %mul3A_845, %mul3A_846 : vector<16xf32>
    %div3A_848 = arith.constant 1.000000e+00 : f32
    %div3A_849 = vector.broadcast %div3A_848 : f32 to vector<16xf32>
    %div3A_850 = arith.divf %div3A_849, %add3A_847 : vector<16xf32>
    %swap3A_851 = arith.constant 384 : index
    %swap3A_852 = tpu.vector_load %arg16[%swap3A_851] {strides = array<i32>} : memref<512xf32, #tpu.memory_space<vmem>>, vector<16xf32>,
    tpu.vector_store %arg16[%swap3A_851], %div3A_850 {strides = array<i32>} : memref<512xf32, #tpu.memory_space<vmem>>, vector<16xf32>,
    %get3A_853 = arith.constant 3 : i32
    %get3A_854 = arith.index_cast %get3A_853 : i32 to index
    %get3A_855 = arith.constant 16 : index
    %get3A_856 = tpu.vector_load %arg14[%get3A_854, %get3A_855] {strides = array<i32>} : memref<4x128xi32, #tpu.memory_space<vmem>>, vector<16xi32>,
    %get3A_857 = arith.constant 3 : i32
    %get3A_858 = arith.index_cast %get3A_857 : i32 to index
    %get3A_859 = arith.constant 16 : index
    %get3A_860 = tpu.vector_load %arg15[%get3A_858, %get3A_859] {strides = array<i32>} : memref<4x128xf32, #tpu.memory_space<vmem>>, vector<16xf32>,
    %sub3A_861 = arith.subi %get3A_88, %get3A_856 : vector<16xi32>
    %convert_element_type3A_862 = arith.sitofp %sub3A_861 : vector<16xi32> to vector<16xf32>
    %eq3A_863 = arith.constant 0 : i32
    %eq3A_864 = vector.broadcast %eq3A_863 : i32 to vector<16xi32>
    %eq3A_865 = arith.cmpi eq, %get3A_856, %eq3A_864 : vector<16xi32>
    %jit3A_866 = arith.constant 1.000000e+00 : f32
    %jit3A_867 = arith.constant 5.000000e-02 : f32
    %broadcast_in_dim3A_868 = vector.broadcast %jit3A_866 : f32 to vector<16xf32>
    %broadcast_in_dim3A_869 = vector.broadcast %jit3A_867 : f32 to vector<16xf32>
    %select_n3A_870 = arith.select %eq3A_865, %broadcast_in_dim3A_868, %broadcast_in_dim3A_869 : vector<16xi1>, vector<16xf32>
    %mul3A_871 = arith.constant 0.949999988 : f32
    %mul3A_872 = vector.broadcast %mul3A_871 : f32 to vector<16xf32>
    %mul3A_873 = arith.mulf %mul3A_872, %get3A_860 : vector<16xf32>
    %mul3A_874 = arith.mulf %select_n3A_870, %convert_element_type3A_862 : vector<16xf32>
    %add3A_875 = arith.addf %mul3A_873, %mul3A_874 : vector<16xf32>
    %div3A_876 = arith.constant 1.000000e+00 : f32
    %div3A_877 = vector.broadcast %div3A_876 : f32 to vector<16xf32>
    %div3A_878 = arith.divf %div3A_877, %add3A_875 : vector<16xf32>
    %swap3A_879 = arith.constant 400 : index
    %swap3A_880 = tpu.vector_load %arg16[%swap3A_879] {strides = array<i32>} : memref<512xf32, #tpu.memory_space<vmem>>, vector<16xf32>,
    tpu.vector_store %arg16[%swap3A_879], %div3A_878 {strides = array<i32>} : memref<512xf32, #tpu.memory_space<vmem>>, vector<16xf32>,
    %get3A_881 = arith.constant 3 : i32
    %get3A_882 = arith.index_cast %get3A_881 : i32 to index
    %get3A_883 = arith.constant 32 : index
    %get3A_884 = tpu.vector_load %arg14[%get3A_882, %get3A_883] {strides = array<i32>} : memref<4x128xi32, #tpu.memory_space<vmem>>, vector<16xi32>,
    %get3A_885 = arith.constant 3 : i32
    %get3A_886 = arith.index_cast %get3A_885 : i32 to index
    %get3A_887 = arith.constant 32 : index
    %get3A_888 = tpu.vector_load %arg15[%get3A_886, %get3A_887] {strides = array<i32>} : memref<4x128xf32, #tpu.memory_space<vmem>>, vector<16xf32>,
    %sub3A_889 = arith.subi %get3A_88, %get3A_884 : vector<16xi32>
    %convert_element_type3A_890 = arith.sitofp %sub3A_889 : vector<16xi32> to vector<16xf32>
    %eq3A_891 = arith.constant 0 : i32
    %eq3A_892 = vector.broadcast %eq3A_891 : i32 to vector<16xi32>
    %eq3A_893 = arith.cmpi eq, %get3A_884, %eq3A_892 : vector<16xi32>
    %jit3A_894 = arith.constant 1.000000e+00 : f32
    %jit3A_895 = arith.constant 5.000000e-02 : f32
    %broadcast_in_dim3A_896 = vector.broadcast %jit3A_894 : f32 to vector<16xf32>
    %broadcast_in_dim3A_897 = vector.broadcast %jit3A_895 : f32 to vector<16xf32>
    %select_n3A_898 = arith.select %eq3A_893, %broadcast_in_dim3A_896, %broadcast_in_dim3A_897 : vector<16xi1>, vector<16xf32>
    %mul3A_899 = arith.constant 0.949999988 : f32
    %mul3A_900 = vector.broadcast %mul3A_899 : f32 to vector<16xf32>
    %mul3A_901 = arith.mulf %mul3A_900, %get3A_888 : vector<16xf32>
    %mul3A_902 = arith.mulf %select_n3A_898, %convert_element_type3A_890 : vector<16xf32>
    %add3A_903 = arith.addf %mul3A_901, %mul3A_902 : vector<16xf32>
    %div3A_904 = arith.constant 1.000000e+00 : f32
    %div3A_905 = vector.broadcast %div3A_904 : f32 to vector<16xf32>
    %div3A_906 = arith.divf %div3A_905, %add3A_903 : vector<16xf32>
    %swap3A_907 = arith.constant 416 : index
    %swap3A_908 = tpu.vector_load %arg16[%swap3A_907] {strides = array<i32>} : memref<512xf32, #tpu.memory_space<vmem>>, vector<16xf32>,
    tpu.vector_store %arg16[%swap3A_907], %div3A_906 {strides = array<i32>} : memref<512xf32, #tpu.memory_space<vmem>>, vector<16xf32>,
    %get3A_909 = arith.constant 3 : i32
    %get3A_910 = arith.index_cast %get3A_909 : i32 to index
    %get3A_911 = arith.constant 48 : index
    %get3A_912 = tpu.vector_load %arg14[%get3A_910, %get3A_911] {strides = array<i32>} : memref<4x128xi32, #tpu.memory_space<vmem>>, vector<16xi32>,
    %get3A_913 = arith.constant 3 : i32
    %get3A_914 = arith.index_cast %get3A_913 : i32 to index
    %get3A_915 = arith.constant 48 : index
    %get3A_916 = tpu.vector_load %arg15[%get3A_914, %get3A_915] {strides = array<i32>} : memref<4x128xf32, #tpu.memory_space<vmem>>, vector<16xf32>,
    %sub3A_917 = arith.subi %get3A_88, %get3A_912 : vector<16xi32>
    %convert_element_type3A_918 = arith.sitofp %sub3A_917 : vector<16xi32> to vector<16xf32>
    %eq3A_919 = arith.constant 0 : i32
    %eq3A_920 = vector.broadcast %eq3A_919 : i32 to vector<16xi32>
    %eq3A_921 = arith.cmpi eq, %get3A_912, %eq3A_920 : vector<16xi32>
    %jit3A_922 = arith.constant 1.000000e+00 : f32
    %jit3A_923 = arith.constant 5.000000e-02 : f32
    %broadcast_in_dim3A_924 = vector.broadcast %jit3A_922 : f32 to vector<16xf32>
    %broadcast_in_dim3A_925 = vector.broadcast %jit3A_923 : f32 to vector<16xf32>
    %select_n3A_926 = arith.select %eq3A_921, %broadcast_in_dim3A_924, %broadcast_in_dim3A_925 : vector<16xi1>, vector<16xf32>
    %mul3A_927 = arith.constant 0.949999988 : f32
    %mul3A_928 = vector.broadcast %mul3A_927 : f32 to vector<16xf32>
    %mul3A_929 = arith.mulf %mul3A_928, %get3A_916 : vector<16xf32>
    %mul3A_930 = arith.mulf %select_n3A_926, %convert_element_type3A_918 : vector<16xf32>
    %add3A_931 = arith.addf %mul3A_929, %mul3A_930 : vector<16xf32>
    %div3A_932 = arith.constant 1.000000e+00 : f32
    %div3A_933 = vector.broadcast %div3A_932 : f32 to vector<16xf32>
    %div3A_934 = arith.divf %div3A_933, %add3A_931 : vector<16xf32>
    %swap3A_935 = arith.constant 432 : index
    %swap3A_936 = tpu.vector_load %arg16[%swap3A_935] {strides = array<i32>} : memref<512xf32, #tpu.memory_space<vmem>>, vector<16xf32>,
    tpu.vector_store %arg16[%swap3A_935], %div3A_934 {strides = array<i32>} : memref<512xf32, #tpu.memory_space<vmem>>, vector<16xf32>,
    %get3A_937 = arith.constant 3 : i32
    %get3A_938 = arith.index_cast %get3A_937 : i32 to index
    %get3A_939 = arith.constant 64 : index
    %get3A_940 = tpu.vector_load %arg14[%get3A_938, %get3A_939] {strides = array<i32>} : memref<4x128xi32, #tpu.memory_space<vmem>>, vector<16xi32>,
    %get3A_941 = arith.constant 3 : i32
    %get3A_942 = arith.index_cast %get3A_941 : i32 to index
    %get3A_943 = arith.constant 64 : index
    %get3A_944 = tpu.vector_load %arg15[%get3A_942, %get3A_943] {strides = array<i32>} : memref<4x128xf32, #tpu.memory_space<vmem>>, vector<16xf32>,
    %sub3A_945 = arith.subi %get3A_88, %get3A_940 : vector<16xi32>
    %convert_element_type3A_946 = arith.sitofp %sub3A_945 : vector<16xi32> to vector<16xf32>
    %eq3A_947 = arith.constant 0 : i32
    %eq3A_948 = vector.broadcast %eq3A_947 : i32 to vector<16xi32>
    %eq3A_949 = arith.cmpi eq, %get3A_940, %eq3A_948 : vector<16xi32>
    %jit3A_950 = arith.constant 1.000000e+00 : f32
    %jit3A_951 = arith.constant 5.000000e-02 : f32
    %broadcast_in_dim3A_952 = vector.broadcast %jit3A_950 : f32 to vector<16xf32>
    %broadcast_in_dim3A_953 = vector.broadcast %jit3A_951 : f32 to vector<16xf32>
    %select_n3A_954 = arith.select %eq3A_949, %broadcast_in_dim3A_952, %broadcast_in_dim3A_953 : vector<16xi1>, vector<16xf32>
    %mul3A_955 = arith.constant 0.949999988 : f32
    %mul3A_956 = vector.broadcast %mul3A_955 : f32 to vector<16xf32>
    %mul3A_957 = arith.mulf %mul3A_956, %get3A_944 : vector<16xf32>
    %mul3A_958 = arith.mulf %select_n3A_954, %convert_element_type3A_946 : vector<16xf32>
    %add3A_959 = arith.addf %mul3A_957, %mul3A_958 : vector<16xf32>
    %div3A_960 = arith.constant 1.000000e+00 : f32
    %div3A_961 = vector.broadcast %div3A_960 : f32 to vector<16xf32>
    %div3A_962 = arith.divf %div3A_961, %add3A_959 : vector<16xf32>
    %swap3A_963 = arith.constant 448 : index
    %swap3A_964 = tpu.vector_load %arg16[%swap3A_963] {strides = array<i32>} : memref<512xf32, #tpu.memory_space<vmem>>, vector<16xf32>,
    tpu.vector_store %arg16[%swap3A_963], %div3A_962 {strides = array<i32>} : memref<512xf32, #tpu.memory_space<vmem>>, vector<16xf32>,
    %get3A_965 = arith.constant 3 : i32
    %get3A_966 = arith.index_cast %get3A_965 : i32 to index
    %get3A_967 = arith.constant 80 : index
    %get3A_968 = tpu.vector_load %arg14[%get3A_966, %get3A_967] {strides = array<i32>} : memref<4x128xi32, #tpu.memory_space<vmem>>, vector<16xi32>,
    %get3A_969 = arith.constant 3 : i32
    %get3A_970 = arith.index_cast %get3A_969 : i32 to index
    %get3A_971 = arith.constant 80 : index
    %get3A_972 = tpu.vector_load %arg15[%get3A_970, %get3A_971] {strides = array<i32>} : memref<4x128xf32, #tpu.memory_space<vmem>>, vector<16xf32>,
    %sub3A_973 = arith.subi %get3A_88, %get3A_968 : vector<16xi32>
    %convert_element_type3A_974 = arith.sitofp %sub3A_973 : vector<16xi32> to vector<16xf32>
    %eq3A_975 = arith.constant 0 : i32
    %eq3A_976 = vector.broadcast %eq3A_975 : i32 to vector<16xi32>
    %eq3A_977 = arith.cmpi eq, %get3A_968, %eq3A_976 : vector<16xi32>
    %jit3A_978 = arith.constant 1.000000e+00 : f32
    %jit3A_979 = arith.constant 5.000000e-02 : f32
    %broadcast_in_dim3A_980 = vector.broadcast %jit3A_978 : f32 to vector<16xf32>
    %broadcast_in_dim3A_981 = vector.broadcast %jit3A_979 : f32 to vector<16xf32>
    %select_n3A_982 = arith.select %eq3A_977, %broadcast_in_dim3A_980, %broadcast_in_dim3A_981 : vector<16xi1>, vector<16xf32>
    %mul3A_983 = arith.constant 0.949999988 : f32
    %mul3A_984 = vector.broadcast %mul3A_983 : f32 to vector<16xf32>
    %mul3A_985 = arith.mulf %mul3A_984, %get3A_972 : vector<16xf32>
    %mul3A_986 = arith.mulf %select_n3A_982, %convert_element_type3A_974 : vector<16xf32>
    %add3A_987 = arith.addf %mul3A_985, %mul3A_986 : vector<16xf32>
    %div3A_988 = arith.constant 1.000000e+00 : f32
    %div3A_989 = vector.broadcast %div3A_988 : f32 to vector<16xf32>
    %div3A_990 = arith.divf %div3A_989, %add3A_987 : vector<16xf32>
    %swap3A_991 = arith.constant 464 : index
    %swap3A_992 = tpu.vector_load %arg16[%swap3A_991] {strides = array<i32>} : memref<512xf32, #tpu.memory_space<vmem>>, vector<16xf32>,
    tpu.vector_store %arg16[%swap3A_991], %div3A_990 {strides = array<i32>} : memref<512xf32, #tpu.memory_space<vmem>>, vector<16xf32>,
    %get3A_993 = arith.constant 3 : i32
    %get3A_994 = arith.index_cast %get3A_993 : i32 to index
    %get3A_995 = arith.constant 96 : index
    %get3A_996 = tpu.vector_load %arg14[%get3A_994, %get3A_995] {strides = array<i32>} : memref<4x128xi32, #tpu.memory_space<vmem>>, vector<16xi32>,
    %get3A_997 = arith.constant 3 : i32
    %get3A_998 = arith.index_cast %get3A_997 : i32 to index
    %get3A_999 = arith.constant 96 : index
    %get3A_1000 = tpu.vector_load %arg15[%get3A_998, %get3A_999] {strides = array<i32>} : memref<4x128xf32, #tpu.memory_space<vmem>>, vector<16xf32>,
    %sub3A_1001 = arith.subi %get3A_88, %get3A_996 : vector<16xi32>
    %convert_element_type3A_1002 = arith.sitofp %sub3A_1001 : vector<16xi32> to vector<16xf32>
    %eq3A_1003 = arith.constant 0 : i32
    %eq3A_1004 = vector.broadcast %eq3A_1003 : i32 to vector<16xi32>
    %eq3A_1005 = arith.cmpi eq, %get3A_996, %eq3A_1004 : vector<16xi32>
    %jit3A_1006 = arith.constant 1.000000e+00 : f32
    %jit3A_1007 = arith.constant 5.000000e-02 : f32
    %broadcast_in_dim3A_1008 = vector.broadcast %jit3A_1006 : f32 to vector<16xf32>
    %broadcast_in_dim3A_1009 = vector.broadcast %jit3A_1007 : f32 to vector<16xf32>
    %select_n3A_1010 = arith.select %eq3A_1005, %broadcast_in_dim3A_1008, %broadcast_in_dim3A_1009 : vector<16xi1>, vector<16xf32>
    %mul3A_1011 = arith.constant 0.949999988 : f32
    %mul3A_1012 = vector.broadcast %mul3A_1011 : f32 to vector<16xf32>
    %mul3A_1013 = arith.mulf %mul3A_1012, %get3A_1000 : vector<16xf32>
    %mul3A_1014 = arith.mulf %select_n3A_1010, %convert_element_type3A_1002 : vector<16xf32>
    %add3A_1015 = arith.addf %mul3A_1013, %mul3A_1014 : vector<16xf32>
    %div3A_1016 = arith.constant 1.000000e+00 : f32
    %div3A_1017 = vector.broadcast %div3A_1016 : f32 to vector<16xf32>
    %div3A_1018 = arith.divf %div3A_1017, %add3A_1015 : vector<16xf32>
    %swap3A_1019 = arith.constant 480 : index
    %swap3A_1020 = tpu.vector_load %arg16[%swap3A_1019] {strides = array<i32>} : memref<512xf32, #tpu.memory_space<vmem>>, vector<16xf32>,
    tpu.vector_store %arg16[%swap3A_1019], %div3A_1018 {strides = array<i32>} : memref<512xf32, #tpu.memory_space<vmem>>, vector<16xf32>,
    %get3A_1021 = arith.constant 3 : i32
    %get3A_1022 = arith.index_cast %get3A_1021 : i32 to index
    %get3A_1023 = arith.constant 112 : index
    %get3A_1024 = tpu.vector_load %arg14[%get3A_1022, %get3A_1023] {strides = array<i32>} : memref<4x128xi32, #tpu.memory_space<vmem>>, vector<16xi32>,
    %get3A_1025 = arith.constant 3 : i32
    %get3A_1026 = arith.index_cast %get3A_1025 : i32 to index
    %get3A_1027 = arith.constant 112 : index
    %get3A_1028 = tpu.vector_load %arg15[%get3A_1026, %get3A_1027] {strides = array<i32>} : memref<4x128xf32, #tpu.memory_space<vmem>>, vector<16xf32>,
    %sub3A_1029 = arith.subi %get3A_88, %get3A_1024 : vector<16xi32>
    %convert_element_type3A_1030 = arith.sitofp %sub3A_1029 : vector<16xi32> to vector<16xf32>
    %eq3A_1031 = arith.constant 0 : i32
    %eq3A_1032 = vector.broadcast %eq3A_1031 : i32 to vector<16xi32>
    %eq3A_1033 = arith.cmpi eq, %get3A_1024, %eq3A_1032 : vector<16xi32>
    %jit3A_1034 = arith.constant 1.000000e+00 : f32
    %jit3A_1035 = arith.constant 5.000000e-02 : f32
    %broadcast_in_dim3A_1036 = vector.broadcast %jit3A_1034 : f32 to vector<16xf32>
    %broadcast_in_dim3A_1037 = vector.broadcast %jit3A_1035 : f32 to vector<16xf32>
    %select_n3A_1038 = arith.select %eq3A_1033, %broadcast_in_dim3A_1036, %broadcast_in_dim3A_1037 : vector<16xi1>, vector<16xf32>
    %mul3A_1039 = arith.constant 0.949999988 : f32
    %mul3A_1040 = vector.broadcast %mul3A_1039 : f32 to vector<16xf32>
    %mul3A_1041 = arith.mulf %mul3A_1040, %get3A_1028 : vector<16xf32>
    %mul3A_1042 = arith.mulf %select_n3A_1038, %convert_element_type3A_1030 : vector<16xf32>
    %add3A_1043 = arith.addf %mul3A_1041, %mul3A_1042 : vector<16xf32>
    %div3A_1044 = arith.constant 1.000000e+00 : f32
    %div3A_1045 = vector.broadcast %div3A_1044 : f32 to vector<16xf32>
    %div3A_1046 = arith.divf %div3A_1045, %add3A_1043 : vector<16xf32>
    %swap3A_1047 = arith.constant 496 : index
    %swap3A_1048 = tpu.vector_load %arg16[%swap3A_1047] {strides = array<i32>} : memref<512xf32, #tpu.memory_space<vmem>>, vector<16xf32>,
    tpu.vector_store %arg16[%swap3A_1047], %div3A_1046 {strides = array<i32>} : memref<512xf32, #tpu.memory_space<vmem>>, vector<16xf32>,
    %dma_start3A_1049 = tpu.memref_slice %arg6[%mul3A_15] : memref<16384xf32, #tpu.memory_space<hbm>> -> memref<512xf32, #tpu.memory_space<hbm>>
    %dma_start3A_1050 = tpu.memref_slice %arg6[%mul3A_15] : memref<16384xf32, #tpu.memory_space<hbm>> -> memref<512xf32, #tpu.memory_space<hbm>>
    tpu.enqueue_dma source(%arg16 : memref<512xf32, #tpu.memory_space<vmem>>) target(%dma_start3A_1050 : memref<512xf32, #tpu.memory_space<hbm>>) target_semaphore(%arg19 : memref<!tpu.dma_semaphore, #tpu.memory_space<semaphore_mem>>)
    %parallel_loop3A_1051 = arith.constant 0 : i32
    %parallel_loop3A_1052 = arith.constant 1024 : i32
    %parallel_loop3A_1053 = arith.constant 1 : i32
    scf.for %parallel_loop3A_1080 = %parallel_loop3A_1051 to %parallel_loop3A_1052 step %parallel_loop3A_1053  : i32 {
      %parallel_loop3A_1081 = arith.constant 16 : i32
      %parallel_loop3A_1082 = arith.muli %parallel_loop3A_1080, %parallel_loop3A_1081 : i32
      %parallel_loop3A_1083 = arith.index_cast %parallel_loop3A_1082 : i32 to index
      %parallel_loop3A_1084 = tpu.vector_load %arg13[%parallel_loop3A_1083] {strides = array<i32>} : memref<16384xi32, #tpu.memory_space<vmem>>, vector<16xi32>,
      tpu.vector_store_idx %arg10[%parallel_loop3A_1084], %get3A_88 : memref<4112xi32, #tpu.memory_space<vmem>>[vector<16xi32>], vector<16xi32>,
      %parallel_loop3A_1085 = arith.index_cast %parallel_loop3A_1082 : i32 to index
      %parallel_loop3A_1086 = tpu.vector_load %arg12[%parallel_loop3A_1085] {strides = array<i32>} : memref<16384xf32, #tpu.memory_space<vmem>>, vector<16xf32>,
      tpu.vector_store_idx %arg11[%parallel_loop3A_1084], %parallel_loop3A_1086 : memref<4112xf32, #tpu.memory_space<vmem>>[vector<16xi32>], vector<16xf32>,
    } {sc.loop_unroll_factor = 8 : i64, sc.parallel_access}
    %dma_start3A_1054 = arith.constant 0 : i32
    %dma_start3A_1055 = tpu.memref_slice %arg10[%dma_start3A_1054] : memref<4112xi32, #tpu.memory_space<vmem>> -> memref<4096xi32, #tpu.memory_space<vmem>>
    %dma_start3A_1056 = tpu.memref_slice %arg7[%mul3A_2] : memref<131072xi32, #tpu.memory_space<hbm>> -> memref<4096xi32, #tpu.memory_space<hbm>>
    %dma_start3A_1057 = tpu.memref_slice %arg7[%mul3A_2] : memref<131072xi32, #tpu.memory_space<hbm>> -> memref<4096xi32, #tpu.memory_space<hbm>>
    %dma_start3A_1058 = arith.constant 0 : i32
    %dma_start3A_1059 = tpu.memref_slice %arg10[%dma_start3A_1058] : memref<4112xi32, #tpu.memory_space<vmem>> -> memref<4096xi32, #tpu.memory_space<vmem>>
    tpu.enqueue_dma source(%dma_start3A_1059 : memref<4096xi32, #tpu.memory_space<vmem>>) target(%dma_start3A_1057 : memref<4096xi32, #tpu.memory_space<hbm>>) target_semaphore(%arg18 : memref<!tpu.dma_semaphore, #tpu.memory_space<semaphore_mem>>)
    %dma_start3A_1060 = arith.constant 0 : i32
    %dma_start3A_1061 = tpu.memref_slice %arg11[%dma_start3A_1060] : memref<4112xf32, #tpu.memory_space<vmem>> -> memref<4096xf32, #tpu.memory_space<vmem>>
    %dma_start3A_1062 = tpu.memref_slice %arg8[%mul3A_2] : memref<131072xf32, #tpu.memory_space<hbm>> -> memref<4096xf32, #tpu.memory_space<hbm>>
    %dma_start3A_1063 = tpu.memref_slice %arg8[%mul3A_2] : memref<131072xf32, #tpu.memory_space<hbm>> -> memref<4096xf32, #tpu.memory_space<hbm>>
    %dma_start3A_1064 = arith.constant 0 : i32
    %dma_start3A_1065 = tpu.memref_slice %arg11[%dma_start3A_1064] : memref<4112xf32, #tpu.memory_space<vmem>> -> memref<4096xf32, #tpu.memory_space<vmem>>
    tpu.enqueue_dma source(%dma_start3A_1065 : memref<4096xf32, #tpu.memory_space<vmem>>) target(%dma_start3A_1063 : memref<4096xf32, #tpu.memory_space<hbm>>) target_semaphore(%arg18 : memref<!tpu.dma_semaphore, #tpu.memory_space<semaphore_mem>>)
    %dma_wait3A_1066 = arith.constant 0 : i32
    %dma_wait3A_1067 = tpu.memref_slice %arg10[%dma_wait3A_1066] : memref<4112xi32, #tpu.memory_space<vmem>> -> memref<4096xi32, #tpu.memory_space<vmem>>
    %dma_wait3A_1068 = tpu.memref_slice %arg7[%mul3A_2] : memref<131072xi32, #tpu.memory_space<hbm>> -> memref<4096xi32, #tpu.memory_space<hbm>>
    %dma_wait3A_1069 = tpu.memref_slice %arg7[%mul3A_2] : memref<131072xi32, #tpu.memory_space<hbm>> -> memref<4096xi32, #tpu.memory_space<hbm>>
    %dma_wait3A_1070 = arith.constant 0 : i32
    %dma_wait3A_1071 = tpu.memref_slice %arg10[%dma_wait3A_1070] : memref<4112xi32, #tpu.memory_space<vmem>> -> memref<4096xi32, #tpu.memory_space<vmem>>
    tpu.wait_dma2 semaphore(%arg18 : memref<!tpu.dma_semaphore, #tpu.memory_space<semaphore_mem>>) src(%dma_wait3A_1071 : memref<4096xi32, #tpu.memory_space<vmem>>) dst(%dma_wait3A_1069 : memref<4096xi32, #tpu.memory_space<hbm>>)
    %dma_wait3A_1072 = arith.constant 0 : i32
    %dma_wait3A_1073 = tpu.memref_slice %arg11[%dma_wait3A_1072] : memref<4112xf32, #tpu.memory_space<vmem>> -> memref<4096xf32, #tpu.memory_space<vmem>>
    %dma_wait3A_1074 = tpu.memref_slice %arg8[%mul3A_2] : memref<131072xf32, #tpu.memory_space<hbm>> -> memref<4096xf32, #tpu.memory_space<hbm>>
    %dma_wait3A_1075 = tpu.memref_slice %arg8[%mul3A_2] : memref<131072xf32, #tpu.memory_space<hbm>> -> memref<4096xf32, #tpu.memory_space<hbm>>
    %dma_wait3A_1076 = arith.constant 0 : i32
    %dma_wait3A_1077 = tpu.memref_slice %arg11[%dma_wait3A_1076] : memref<4112xf32, #tpu.memory_space<vmem>> -> memref<4096xf32, #tpu.memory_space<vmem>>
    tpu.wait_dma2 semaphore(%arg18 : memref<!tpu.dma_semaphore, #tpu.memory_space<semaphore_mem>>) src(%dma_wait3A_1077 : memref<4096xf32, #tpu.memory_space<vmem>>) dst(%dma_wait3A_1075 : memref<4096xf32, #tpu.memory_space<hbm>>)
    %dma_wait3A_1078 = tpu.memref_slice %arg6[%mul3A_15] : memref<16384xf32, #tpu.memory_space<hbm>> -> memref<512xf32, #tpu.memory_space<hbm>>
    %dma_wait3A_1079 = tpu.memref_slice %arg6[%mul3A_15] : memref<16384xf32, #tpu.memory_space<hbm>> -> memref<512xf32, #tpu.memory_space<hbm>>
    tpu.wait_dma2 semaphore(%arg19 : memref<!tpu.dma_semaphore, #tpu.memory_space<semaphore_mem>>) src(%arg16 : memref<512xf32, #tpu.memory_space<vmem>>) dst(%dma_wait3A_1079 : memref<512xf32, #tpu.memory_space<hbm>>)
    return
  }
}

</mosaic_0001>

<sc_bundles>
// kernel: _sc_call.3.cloned.1.call-start
scs
__scs_entry_jumppad:
0x0: {  	(pc) =	sbr.rel $0x88, $3  }
0x1: {  	(tag) =	ssettag $0x0;
	lr =	simm.s32 $0x1  }
0x2: {  	[smem:$0x3F9D] =	sst lr;
	_ =	strace $0xD0000000  }
0x3: {  	_ = 	snop  }
0x4: {  	_ = 	snop  }
0x5: {  	_ = 	snop  }
0x6: {  	_ = 	snop  }
0x7: {  	_ = 	snop  }
__scs_overlays_trampoline_lowered:
0x8: {  	[smem:$0x3FAC] =	sst s0  }
0x9: {  	[smem:$0x3FAD] =	sst s1  }
0xa: {  	[smem:$0x3FAE] =	sst s2  }
0xb: {  	[smem:$0x3FAF] =	sst s3  }
0xc: {  	[smem:$0x3FB0] =	sst s4  }
0xd: {  	[smem:$0x3FB1] =	sst s5  }
0xe: {  	[smem:$0x3FB2] =	sst s6  }
0xf: {  	[smem:$0x3FB3] =	sst s7  }
0x10: {  	[smem:$0x3FB4] =	sst s8  }
0x11: {  	[smem:$0x3FB5] =	sst s9;
	s0 =	simm.s32 @!p0 $0x0  }
0x12: {  	s1 =	sld [smem:$0x3F9B];
	s0 =	simm.s32 @p0 $0x1  }
0x13: {  	[smem:$0x3FB6] =	sst s0;
	s0 =	simm.s32 @!p1 $0x0  }
0x14: {  	s2 =	sld [smem:$0x3F9A];
	s0 =	simm.s32 @p1 $0x1  }
0x15: {  	[smem:$0x3FB7] =	sst s0;
	s0 =	simm.s32 @!p2 $0x0  }
0x16: {  	s3 =	sld [smem:$0x3FDB];
	s0 =	simm.s32 @p2 $0x1  }
0x17: {  	s4 =	simm.s32 $0x1BF5;
	[smem:$0x3FB9] =	sst s0  }
0x18: {  	s0 =	sld [smem:$0x3F9C];
	_ =	swait.ge [sflag:s4], $0x0  }
0x19: {  	s7 =	sld [smem:$0x3F9D]  }
0x1a: {  	s8 =	sadd.s32 $0xFFFFE003, lr  }
0x1b: {  	s9 =	sadd.s32 $0xFFFFFEF7, lr;
	s5 =	simm.s32 $0xFFFFFFFF;
	p2 =	slt.u32 s8, $0xFFFFF086  }
0x1c: {  	p1 =	slt.u32 s9, $0xF7A;
	s5 =	simm.s32 @!p2 $0x0  }
0x1d: {  	s5 =	simm.s32 @p1 $0x1;
	p0 =	seq.s32 s7, s2  }
0x1e: {  	s7 =	smul.u32 @!p0 $0xF7A, s2;
	p2 =	seq.s32 @!p0 s5, $0x0  }
0x1f: {  	s9 =	smul.u32 $0xF7A, s1;
	s8 =	simm.s32 @!p0 $0x1BF5;
	p2 =	por !p2, p0  }
0x20: {  	[sflag:s8] =	ssyncset.s32 @!p0 $0xFFFFF086;
	s6 =	sadd.s32 @!p0 s3, s7;
	s7 =	simm.s32 @!p0 $0x108  }
0x21: {  	s3 =	sadd.s32 s3, s9;
	s6 =	sadd.s32 @!p0 $0x88, s6;
	s7 =	simm.s32 @p2 $0x1082  }
0x22: {  	[simem:s7], [sflag:s8] =	dma.local @!p0 [hbm:s6], $0xF7A  }
0x23: {  	s9 =	sor.u32 $0xD0000000, s2;
	s6 =	simm.s32 $0x108;
	_ =	swait.ge @!p0 [sflag:s8], $0x0  }
0x24: {  	s3 =	sadd.s32 $0x88, s3;
	s6 =	simm.s32 @!p1 $0x1082;
	[sflag:s4] =	ssyncset.s32 $0xFFFFF086  }
0x25: {  	[simem:s6], [sflag:s4] =	dma.local [hbm:s3], $0xF7A  }
0x26: {  	[smem:$0x3F9D] =	sst s1;
	(tag) =	ssettag s2;
	_ =	strace s9  }
0x27: {  	s1 =	sld [smem:$0x3FAD]  }
0x28: {  	s2 =	sld [smem:$0x3FAE]  }
0x29: {  	s4 =	sld [smem:$0x3FB0]  }
0x2a: {  	p0 =	seq.s32 s5, $0x0;
	s5 =	sld [smem:$0x3FB1]  }
0x2b: {  	s6 =	sld [smem:$0x3FB2]  }
0x2c: {  	s7 =	sld [smem:$0x3FB3]  }
0x2d: {  	s3 =	simm.s32 $0x108;
	s8 =	sld [smem:$0x3FB4]  }
0x2e: {  	s3 =	simm.s32 @!p0 $0x1082;
	s9 =	sld [smem:$0x3FB5]  }
0x2f: {  	lr =	sadd.s32 s0, s3;
	s0 =	sld [smem:$0x3FAC]  }
0x30: {  	s3 =	sld [smem:$0x3FAF]  }
0x31: {  	[smem:$0x3FB8] =	sst s10  }
0x32: {  	s10 =	sld [smem:$0x3FB6];
	_ =	sdelay $0x3  }
0x33: {  	p0 =	seq.s32 s10, $0x1;
	s10 =	sld [smem:$0x3FB8];
	_ =	sdelay $0x3  }
0x34: {  	[smem:$0x3FB8] =	sst s10  }
0x35: {  	s10 =	sld [smem:$0x3FB7];
	_ =	sdelay $0x3  }
0x36: {  	p1 =	seq.s32 s10, $0x1;
	s10 =	sld [smem:$0x3FB8];
	_ =	sdelay $0x3  }
0x37: {  	[smem:$0x3FB8] =	sst s10  }
0x38: {  	s10 =	sld [smem:$0x3FB9]  }
0x39: {  	_ = 	snop;
	(pc) =	sbr.ind lr, $3  }
0x3a: {  	_ = 	snop  }
0x3b: {  	_ = 	snop  }
0x3c: {  	p2 =	seq.s32 s10, $0x1;
	s10 =	sld [smem:$0x3FB8]  }
0x3d: {  	_ =	shalt  }
0x3e: {  	_ =	shalt  }
0x3f: {  	_ =	shalt  }
0x40: {  	_ =	shalt  }
0x41: {  	_ =	shalt  }
0x42: {  	_ =	shalt  }
0x43: {  	_ =	shalt  }
0x44: {  	_ =	shalt  }
0x45: {  	_ =	shalt  }
0x46: {  	_ =	shalt  }
0x47: {  	_ =	shalt  }
0x48: {  	_ =	shalt  }
0x49: {  	_ =	shalt  }
0x4a: {  	_ =	shalt  }
0x4b: {  	_ =	shalt  }
0x4c: {  	_ =	shalt  }
0x4d: {  	_ =	shalt  }
0x4e: {  	_ =	shalt  }
0x4f: {  	_ =	shalt  }
0x50: {  	_ =	shalt  }
0x51: {  	_ =	shalt  }
0x52: {  	_ =	shalt  }
0x53: {  	_ =	shalt  }
0x54: {  	_ =	shalt  }
0x55: {  	_ =	shalt  }
0x56: {  	_ =	shalt  }
0x57: {  	_ =	shalt  }
0x58: {  	_ =	shalt  }
0x59: {  	_ =	shalt  }
0x5a: {  	_ =	shalt  }
0x5b: {  	_ =	shalt  }
0x5c: {  	_ =	shalt  }
0x5d: {  	_ =	shalt  }
0x5e: {  	_ =	shalt  }
0x5f: {  	_ =	shalt  }
0x60: {  	_ =	shalt  }
0x61: {  	_ =	shalt  }
0x62: {  	_ =	shalt  }
0x63: {  	_ =	shalt  }
0x64: {  	_ =	shalt  }
0x65: {  	_ =	shalt  }
0x66: {  	_ =	shalt  }
0x67: {  	_ =	shalt  }
0x68: {  	_ =	shalt  }
0x69: {  	_ =	shalt  }
0x6a: {  	_ =	shalt  }
0x6b: {  	_ =	shalt  }
0x6c: {  	_ =	shalt  }
0x6d: {  	_ =	shalt  }
0x6e: {  	_ =	shalt  }
0x6f: {  	_ =	shalt  }
0x70: {  	_ =	shalt  }
0x71: {  	_ =	shalt  }
0x72: {  	_ =	shalt  }
0x73: {  	_ =	shalt  }
0x74: {  	_ =	shalt  }
0x75: {  	_ =	shalt  }
0x76: {  	_ =	shalt  }
0x77: {  	_ =	shalt  }
0x78: {  	_ =	shalt  }
0x79: {  	_ =	shalt  }
0x7a: {  	_ =	shalt  }
0x7b: {  	_ =	shalt  }
0x7c: {  	_ =	shalt  }
0x7d: {  	_ =	shalt  }
0x7e: {  	_ =	shalt  }
0x7f: {  	_ =	shalt  }
0x80: {  	_ =	shalt  }
0x81: {  	_ =	shalt  }
0x82: {  	_ =	shalt  }
0x83: {  	_ =	shalt  }
0x84: {  	_ =	shalt  }
0x85: {  	_ =	shalt  }
0x86: {  	_ =	shalt  }
0x87: {  	_ =	shalt  }
.Lfunc_end0:
.L_simem_size_0:
called_computation_lowered:
.L_overlay_start_0:
0x88: {  	s2 =	sld [smem:$0x3FD9]  }
0x89: {  	s3 =	sld [smem:$0x3FFE];
	_ =	sdelay $0x1  }
0x8a: {  	s1 =	srdreg.scid  }
0x8b: {  	s0 =	sand.u32 $0x1, s1  }
0x8c: {  	s15 =	sshll.u32 s0, $0xA;
	s2 =	sadd.s32 s3, s2  }
0x8d: {  	s2 =	sadd.s32 s2, s15  }
0x8e: {  	[smem:$0x3FC4] =	sst s2  }
0x8f: {  	_ = 	snop  }
0x90: {  	s2 =	sld [smem:$0x3FC9]  }
0x91: {  	s16 =	sld [smem:$0x3FD0]  }
0x92: {  	s4 =	sld [smem:$0x3FC8]  }
0x93: {  	s5 =	sld [smem:$0x3FC7]  }
0x94: {  	s7 =	simm.s32 $0xA;
	s8 =	simm.s32 $0x10;
	s6 =	sld [smem:$0x3FC6]  }
0x95: {  	[smem:s8], [sflag:s7] =	dma.local [hbm:s16], $0x1  }
0x96: {  	_ =	swait.eq [sflag:s7], $0x1  }
0x97: {  	s17 =	sld [smem:$0x10];
	[sflag:s7] =	ssyncset.done $0x0  }
0x98: {  	s18 =	sld [smem:$0x11];
	[sflag:s7] =	ssyncadd.s32 $0xFFFFFFFF  }
0x99: {  	s19 =	sld [smem:$0x12];
	(tm) =	ssettm $0x1  }
0x9a: {  	s9 =	sld [smem:$0x3FFB];
	_ =	sdelay $0x3  }
0x9b: {  	_ =	strace s9  }
0x9c: {  	s9 =	sld [smem:$0x3FFC];
	_ =	sdelay $0x3  }
0x9d: {  	_ =	strace s9  }
0x9e: {  	s9 =	sld [smem:$0x3FFD];
	_ =	sdelay $0x3  }
0x9f: {  	_ =	strace s9  }
0xa0: {  	_ =	strace $0x8FFFFFFF  }
0xa1: {  	s20 =	sld [smem:$0x3FDB];
	_ =	sdelay $0x1  }
0xa2: {  	s10 =	simm.s32 $_scs_section_size  }
0xa3: {  	s11 =	simm.s32 $_size__tile_overlayer_lowered;
	s12 =	simm.s32 $_tile_overlayer_lowered  }
0xa4: {  	s23 =	simm.s32 $0x1BFF;
	s22 =	sshll.u32 s12, $0x1;
	s9 =	sadd.s32 s10, s20  }
0xa5: {  	s13 =	simm.s32 $0x0;
	s21 =	sshll.u32 s11, $0x1;
	s11 =	sadd.s32 s22, s9  }
0xa6: {  	[timem:s13], [sflag:s23] =	dma.local [hbm:s11], s21  }
0xa7: {  	_ =	swait.ge [sflag:s23], s21  }
0xa8: {  	s10 =	ssub.s32 $0x0, s21;
	[sflag:s23] =	ssyncset.done $0x0  }
0xa9: {  	[sflag:s23] =	ssyncadd.s32 s10;
	_ =	sdelay $0x1  }
0xaa: {  	s24 =	simm.s32 $0x1B8B  }
0xab: {  	_ =	swait.ge [sflag:s24], $0x1  }
0xac: {  	[sflag:s24] =	ssyncset.done $0x0  }
0xad: {  	s25 =	simm.s32 $0x1B8E;
	[sflag:s24] =	ssyncadd.s32 $0xFFFFFFFF  }
0xae: {  	s26 =	simm.s32 $execute0_lowered;
	[smem:$0x3FD2] =	sst s25  }
0xaf: {  	s10 =	sshll.u32 s26, $0x1;
	_ =	strace $0x80000046;
	[dreg:$0x1] =	wrdreg $0xFFFFFFFF  }
0xb0: {  	s28 =	simm.s32 $_size_execute0_lowered;
	s9 =	sadd.s32 s9, s10;
	[dreg:$0x0] =	wrdreg $0x0  }
0xb1: {  	s10 =	sshll.u32 s28, $0x1;
	[dreg:$0x2] =	wrdreg s9  }
0xb2: {  	[dreg:$0x3] =	wrdreg s10  }
0xb3: {  	[dreg:$0x4] =	wrdreg $0xC0  }
0xb4: {  	_ =	task [dreg:s13], $0x5FFFF  }
0xb5: {  	[dreg:$0x1] =	wrdreg $0xFFFFFFFF  }
0xb6: {  	[dreg:$0x0] =	wrdreg $0x60  }
0xb7: {  	[dreg:$0x2] =	wrdreg s2  }
0xb8: {  	[dreg:$0x3] =	wrdreg s4  }
0xb9: {  	[dreg:$0x4] =	wrdreg s5  }
0xba: {  	[dreg:$0x5] =	wrdreg s6  }
0xbb: {  	[dreg:$0x6] =	wrdreg s17  }
0xbc: {  	[dreg:$0x7] =	wrdreg s18  }
0xbd: {  	[dreg:$0x8] =	wrdreg s19  }
0xbe: {  	[dreg:$0x9] =	wrdreg $0x9  }
0xbf: {  	_ =	task.clear_ibuf [dreg:s13], $0xAFFFF;
	_ =	strace $0x90000046  }
0xc0: {  	s29 =	simm.s32 $0x9;
	_ =	strace $0x80000048  }
0xc1: {  	_ =	swait.ge [sflag:s29], $0x1  }
0xc2: {  	[sflag:s29] =	ssyncadd.s32 $0xFFFFFFFF  }
0xc3: {  	_ =	strace $0x90000048  }
0xc4: {  	_ =	sfence  }
0xc5: {  	s30 =	sld [smem:$0x0];
	_ =	sdelay $0x2  }
0xc6: {  	s31 =	sshll.u32 s1, $0xD;
	s1 =	sshrl.u32 s1, $0x2  }
0xc7: {  	s3 =	sand.u32 $0x4000, s31;
	s1 =	sadd.s32 s1, s30  }
0xc8: {  	s0 =	sor.u32 s3, s0;
	s1 =	sshll.u32 s1, $0x11  }
0xc9: {  	s0 =	sor.u32 s1, s0  }
0xca: {  	s0 =	sadd.s32 $0x8F2B, s0  }
0xcb: {  	[sflag:s0] =	ssyncadd.remote.s32 $0x1  }
0xcc: {  	_ =	sfence.sel $0xFFFF  }
0xcd: {  	[dreg:$0x0] =	wrdreg $0xFFFFFFFF;
	(pc) =	sbr.abs _section_cstart, $3  }
0xce: {  	[dreg:$0x1] =	wrdreg $0xFFFFFFFF  }
0xcf: {  	_ =	task.clear_ibuf [dreg:s13], $0x2FFFF;
	_ =	strace $0x9FFFFFFF  }
0xd0: {  	(tm) =	ssettm $0x7FFFFFFF  }
0xd1: {  	_ =	shalt  }
tec
execute0_lowered:
.L_overlay_start_1:
0x0: {  	(tag) =	ssettag $0x1  }
0x1: {  	s3 =	rddreg [dreg:$0x2]  }
0x2: {  	s4 =	rddreg [dreg:$0x3]  }
0x3: {  	s0 =	rddreg [dreg:$0x4]  }
0x4: {  	s1 =	rddreg [dreg:$0x5]  }
0x5: {  	s2 =	rddreg [dreg:$0x6];
	s5 =	srdreg.scid;
	s6 =	simm.s32 $0x0  }
0x6: {  	s8 =	stileid.u32;
	s17 =	simm.s32 $0x4000;
	s18 =	simm.s32 $0x5080  }
0x7: {  	s20 =	simm.s32 $0x4;
	s21 =	simm.s32 $0x3;
	s22 =	simm.s32 $0x80  }
0x8: {  	s29 =	simm.s32 $0xE400;
	s30 =	simm.s32 $0xE280;
	s5 =	sand.u32 $0x1, s5  }
0x9: {  	s31 =	simm.s32 $0xE480;
	s7 =	sshll.u32 s5, $0x4;
	s5 =	ssub.s32 $0x2, s5  }
0xa: {  	[smem:$0x7FF] =	sst s6;
	s19 =	sor.u32 s8, s7;
	s28 =	sshrl.u32 s5, $0x1  }
0xb: {  	_ =	strace $0x80000047;
	s7 =	sshll.u32 s19, $0x9;
	s5 =	ssub.s32 s5, s28  }
0xc: {  	s23 =	sshll.u32 s19, $0xC;
	s13 =	sshll.u32 s19, $0x6;
	s8 =	sadd.s32 s3, s7  }
0xd: {  	s9 =	sadd.s32 s4, s7;
	s10 =	sor.u32 $0x80, s7;
	s11 =	sor.u32 $0x100, s7  }
0xe: {  	s12 =	sor.u32 $0x180, s7;
	s13 =	sadd.s32 s0, s13;
	s14 =	sadd.s32 s1, s7  }
0xf: {  	v2 =	vlaneseq.u32;
	v3 =	vimm.f32 $5.000000070e-02;
	s15 =	sadd.s32 s2, s7;
	s16 =	smax.u32 s5, $0x1;
	s2 =	simm.s32 $0x1  }
0x10: {  	v2 =	vor.u32 $0x1000, v2;
	v0 =	vmov s19;
	v1 =	vmov s23;
	s5 =	simm.s32 $0x2;
	s0 =	simm.s32 $0xE500;
	s1 =	simm.s32 $0x0  }
.LBB2_1:
0x11: {  	s19 =	rddreg [dreg:$0x1]  }
0x12: {  	[tilespmem:s6], [sflag:$0x3] =	stream.linear.gather [hbm4b:s19+s6], $0x4000, $0x38;
	[tilespmem:$0xE780] =	vst v63  }
0x13: {  	_ = 	snop  }
0x14: {  	[tilespmem:s17], [sflag:$0x1] =	stream.linear.gather [hbm4b:s8+s6], $0x1000, $0x38;
	[tilespmem:$0xE780] =	vst v63  }
0x15: {  	_ = 	snop  }
0x16: {  	[tilespmem:s18], [sflag:$0x1] =	stream.linear.gather [hbm4b:s9+s6], $0x1000, $0x38;
	[tilespmem:$0xE780] =	vst v63  }
0x17: {  	s26 =	rddreg [dreg:$0x0];
	s23 =	simm.s32 $0xE700  }
0x18: {  	[tilespmem:s23], [sflag:$0x4] =	stream.linear.gather [hbm4b:s26+s6], $0x80, $0x38;
	[tilespmem:$0xE780] =	vst v63  }
0x19: {  	_ =	swait.ge [sflag:s20], $0x80  }
0x1a: {  	[sflag:s20] =	ssyncset.done $0x0  }
0x1b: {  	[sflag:s20] =	ssyncadd.s32 $0xFFFFFF80  }
0x1c: {  	_ =	swait.ge [sflag:s21], $0x4000  }
0x1d: {  	[sflag:s21] =	ssyncset.done $0x0  }
0x1e: {  	s24 =	simm.s32 $0xE100;
	[sflag:s21] =	ssyncadd.s32 $0xFFFFC000  }
0x1f: {  	[tilespmem:s24], [sflag:$0x2] =	stream.indirect.gather [hbm4b:s3+s22], $0x1, s7, s22, $0xb8;
	[tilespmem:$0xE780] =	vst v63  }
0x20: {  	s25 =	simm.s32 $0xE300  }
0x21: {  	[tilespmem:s25], [sflag:$0x2] =	stream.indirect.gather [hbm4b:s4+s22], $0x1, s7, s22, $0xb8;
	[tilespmem:$0xE780] =	vst v63  }
0x22: {  	s26 =	simm.s32 $0xE180  }
0x23: {  	[tilespmem:s26], [sflag:$0x2] =	stream.indirect.gather [hbm4b:s3+s22], $0x1, s10, s22, $0xb8;
	[tilespmem:$0xE780] =	vst v63  }
0x24: {  	s23 =	simm.s32 $0xE380  }
0x25: {  	[tilespmem:s23], [sflag:$0x2] =	stream.indirect.gather [hbm4b:s4+s22], $0x1, s10, s22, $0xb8;
	[tilespmem:$0xE780] =	vst v63  }
0x26: {  	s24 =	simm.s32 $0xE200  }
0x27: {  	[tilespmem:s24], [sflag:$0x2] =	stream.indirect.gather [hbm4b:s3+s22], $0x1, s11, s22, $0xb8;
	[tilespmem:$0xE780] =	vst v63  }
0x28: {  	_ = 	snop  }
0x29: {  	[tilespmem:s29], [sflag:$0x2] =	stream.indirect.gather [hbm4b:s4+s22], $0x1, s11, s22, $0xb8;
	[tilespmem:$0xE780] =	vst v63  }
0x2a: {  	_ = 	snop  }
0x2b: {  	[tilespmem:s30], [sflag:$0x2] =	stream.indirect.gather [hbm4b:s3+s22], $0x1, s12, s22, $0xb8;
	[tilespmem:$0xE780] =	vst v63  }
0x2c: {  	_ = 	snop  }
0x2d: {  	[tilespmem:s31], [sflag:$0x2] =	stream.indirect.gather [hbm4b:s4+s22], $0x1, s12, s22, $0xb8;
	[tilespmem:$0xE780] =	vst v63  }
0x2e: {  	v4 =	vld [tilespmem:$0xE700];
	_ =	swait.ge [sflag:s2], $0x1000  }
0x2f: {  	[sflag:s2] =	ssyncset.done $0x0  }
0x30: {  	[sflag:s2] =	ssyncadd.s32 $0xFFFFF000  }
0x31: {  	_ =	swait.ge [sflag:s2], $0x1000  }
0x32: {  	[sflag:s2] =	ssyncset.done $0x0  }
0x33: {  	s25 =	simm.s32 $0x40;
	[sflag:s2] =	ssyncadd.s32 $0xFFFFF000  }
0x34: {  	v5 =	vld [tilespmem:s25+$0x30];
	_ =	sdelay $0x1  }
0x35: {  	v6 =	vld [tilespmem:s25+$0xFFFFFFD0]  }
0x36: {  	v10 =	vld [tilespmem:s25+$0xFFFFFFC0]  }
0x37: {  	v7 =	vld [tilespmem:s25+$0xFFFFFFE0]  }
0x38: {  	v9 =	vshra.s32 v5, $0xC  }
0x39: {  	v8 =	vld [tilespmem:s25+$0xFFFFFFF0];
	v5 =	vsub.s32 v5, v1;
	vm0 =	veq.s32 v9, v0  }
0x3a: {  	v9 =	vld [tilespmem:s25+$0x0];
	v18 =	vsel vm0, v5, v2  }
0x3b: {  	v13 =	vshra.s32 v10, $0xC;
	v10 =	vsub.s32 v10, v1;
	v5 =	vshra.s32 v6, $0xC  }
0x3c: {  	v11 =	vld [tilespmem:s25+$0x10];
	vm2 =	veq.s32 v13, v0;
	vm0 =	veq.s32 v5, v0;
	v5 =	vshra.s32 v7, $0xC  }
0x3d: {  	v12 =	vld [tilespmem:s25+$0x20];
	v20 =	vsel vm2, v10, v2;
	v7 =	vsub.s32 v7, v1;
	vm1 =	veq.s32 v5, v0  }
0x3e: {  	v5 =	vshra.s32 v8, $0xC;
	v7 =	vsel vm1, v7, v2  }
0x3f: {  	v6 =	vsub.s32 v6, v1;
	vm3 =	veq.s32 v5, v0;
	v5 =	vshra.s32 v9, $0xC;
	v13 =	vld.idx.msk [tilespmem:v18+s17+$0x0], $0xffff  }
0x40: {  	v19 =	vsel vm0, v6, v2;
	v6 =	vsub.s32 v9, v1;
	vm2 =	veq.s32 v5, v0  }
0x41: {  	v5 =	vshra.s32 v11, $0xC;
	v10 =	vld.idx.msk [tilespmem:v18+s18+$0x0], $0xffff;
	v9 =	vsel vm2, v6, v2  }
0x42: {  	v8 =	vsub.s32 v8, v1;
	v14 =	vld.idx.msk [tilespmem:v20+s17+$0x0], $0xffff;
	vm0 =	veq.s32 v5, v0;
	v5 =	vshra.s32 v12, $0xC  }
0x43: {  	v8 =	vsel vm3, v8, v2;
	vm1 =	veq.s32 v5, v0;
	v5 =	vsub.s32 v11, v1;
	v15 =	vld.idx.msk [tilespmem:v7+s17+$0x0], $0xffff  }
0x44: {  	v11 =	vsub.s32 v12, v1;
	v6 =	vsel vm0, v5, v2;
	v37 =	vld.idx.msk [tilespmem:v7+s18+$0x0], $0xffff;
	v12 =	vsub.s32 v4, v13  }
0x45: {  	v5 =	vsel vm1, v11, v2;
	vm0 =	veq.s32 v13, $0x0;
	v11 =	vcvt.s32.f32 v12;
	v12 =	vld.idx.msk [tilespmem:v19+s17+$0x0], $0xffff  }
0x46: {  	v13 =	vsel vm0, $0x3F800000, v3;
	v16 =	vld.idx.msk [tilespmem:v9+s17+$0x0], $0xffff  }
0x47: {  	v10 =	vmul.f32 $9.499999880e-01, v10;
	v11 =	vmul.f32 v11, v13  }
0x48: {  	vm0 =	veq.s32 v14, $0x0;
	v13 =	vld.idx.msk [tilespmem:v8+s17+$0x0], $0xffff  }
0x49: {  	vm2 =	veq.s32 v15, $0x0;
	v42 =	vld.idx.msk [tilespmem:v6+s18+$0x0], $0xffff;
	v21 =	vadd.f32 v11, v10;
	v11 =	vsub.s32 v4, v14  }
0x4a: {  	v56 =	vmul.f32 $9.499999880e-01, v37;
	v27 =	vsel vm2, $0x3F800000, v3;
	v11 =	vcvt.s32.f32 v11  }
0x4b: {  	v10 =	vld.idx.msk [tilespmem:v6+s17+$0x0], $0xffff;
	v17 =	vsub.s32 v4, v12;
	vm1 =	veq.s32 v12, $0x0;
	vm4 =	veq.s32 v16, $0x0  }
0x4c: {  	v14 =	vld.idx.msk [tilespmem:v5+s17+$0x0], $0xffff;
	v12 =	vcvt.s32.f32 v17;
	v17 =	vsub.s32 v4, v15;
	v25 =	vsel vm1, $0x3F800000, v3  }
0x4d: {  	s26 =	simm.s32 $0xC0;
	v29 =	vsel vm4, $0x3F800000, v3;
	v15 =	vcvt.s32.f32 v17;
	v17 =	vsub.s32 v4, v13  }
0x4e: {  	v30 =	vld [tilespmem:s26+$0x0];
	vm3 =	veq.s32 v13, $0x0;
	v13 =	vsub.s32 v4, v16;
	v62 =	vmul.f32 $9.499999880e-01, v42  }
0x4f: {  	v16 =	vld [tilespmem:s26+$0x30];
	v22 =	vcvt.s32.f32 v17;
	v23 =	vcvt.s32.f32 v13;
	v17 =	vsel vm0, $0x3F800000, v3  }
0x50: {  	v36 =	vld.idx.msk [tilespmem:v19+s18+$0x0], $0xffff;
	v28 =	vsel vm3, $0x3F800000, v3;
	v25 =	vmul.f32 v12, v25;
	v13 =	vsub.s32 v4, v10  }
0x51: {  	vm5 =	veq.s32 v10, $0x0;
	v10 =	vld [tilespmem:s26+$0xFFFFFFD0];
	vm6 =	veq.s32 v14, $0x0;
	v31 =	vmul.f32 v11, v17  }
0x52: {  	v27 =	vmul.f32 v15, v27;
	v24 =	vcvt.s32.f32 v13;
	v13 =	vsub.s32 v4, v14;
	v14 =	vld [tilespmem:s26+$0xFFFFFFE0]  }
0x53: {  	v32 =	vsel vm5, $0x3F800000, v3;
	v33 =	vsel vm6, $0x3F800000, v3;
	v26 =	vcvt.s32.f32 v13;
	v13 =	vld [tilespmem:s26+$0xFFFFFFF0]  }
0x54: {  	v11 =	vld [tilespmem:s26+$0x10];
	v22 =	vmul.f32 v22, v28;
	v23 =	vmul.f32 v23, v29;
	v17 =	vshra.s32 v16, $0xC  }
0x55: {  	v29 =	vmul.f32 $9.499999880e-01, v36;
	v15 =	vsub.s32 v16, v1;
	vm0 =	veq.s32 v17, v0;
	v17 =	vld [tilespmem:s26+$0x20]  }
0x56: {  	v12 =	vshra.s32 v10, $0xC;
	v34 =	vsel vm0, v15, v2;
	v10 =	vsub.s32 v10, v1  }
0x57: {  	v16 =	vld [tilespmem:s26+$0xFFFFFFC0];
	vm1 =	veq.s32 v12, v0;
	v12 =	vshra.s32 v14, $0xC;
	v14 =	vsub.s32 v14, v1  }
0x58: {  	vm0 =	veq.s32 v12, v0;
	v12 =	vshra.s32 v13, $0xC;
	v15 =	vsub.s32 v13, v1  }
0x59: {  	vm2 =	veq.s32 v12, v0;
	v12 =	vshra.s32 v30, $0xC;
	v30 =	vsub.s32 v30, v1  }
0x5a: {  	v35 =	vld.idx.msk [tilespmem:v20+s18+$0x0], $0xffff;
	vm3 =	veq.s32 v12, v0;
	v12 =	vshra.s32 v11, $0xC;
	v13 =	vshra.s32 v17, $0xC  }
0x5b: {  	v41 =	vsub.s32 v17, v1;
	v17 =	vsel vm0, v14, v2;
	vm4 =	veq.s32 v12, v0;
	v38 =	vld.idx.msk [tilespmem:v34+s17+$0x0], $0xffff  }
0x5c: {  	v28 =	vld.idx.msk [tilespmem:v5+s18+$0x0], $0xffff;
	v12 =	vshra.s32 v16, $0xC;
	v16 =	vsub.s32 v16, v1;
	v14 =	vsel vm3, v30, v2  }
0x5d: {  	v39 =	vld.idx.msk [tilespmem:v8+s18+$0x0], $0xffff;
	vm5 =	veq.s32 v12, v0;
	v12 =	vsub.s32 v11, v1;
	v11 =	vsel vm1, v10, v2  }
0x5e: {  	v40 =	vld.idx.msk [tilespmem:v9+s18+$0x0], $0xffff;
	v32 =	vmul.f32 v24, v32;
	vm6 =	veq.s32 v13, v0;
	v13 =	vsel vm5, v16, v2  }
0x5f: {  	s24 =	simm.s32 $0x6140;
	v61 =	vadd.f32 v25, v29;
	v30 =	vld.idx.msk [tilespmem:v34+s18+$0x0], $0xffff;
	v16 =	vsel vm2, v15, v2;
	v12 =	vsel vm4, v12, v2  }
0x60: {  	s25 =	simm.s32 $0xA140;
	[tilespmem:s24+$0x30] =	vst v21;
	v15 =	vmul.f32 v26, v33;
	v26 =	vmul.f32 $9.499999880e-01, v35;
	v59 =	vld.idx.msk [tilespmem:v17+s17+$0x0], $0xffff;
	v24 =	vsub.s32 v4, v38  }
0x61: {  	[tilespmem:s25+$0x30] =	vst v18;
	v18 =	vmul.f32 $9.499999880e-01, v28;
	vm0 =	veq.s32 v38, $0x0;
	v63 =	vld.idx.msk [tilespmem:v14+s17+$0x0], $0xffff;
	v24 =	vcvt.s32.f32 v24  }
0x62: {  	v10 =	vsel vm6, v41, v2;
	v26 =	vadd.f32 v31, v26;
	v57 =	vld.idx.msk [tilespmem:v11+s17+$0x0], $0xffff;
	v58 =	vsel vm0, $0x3F800000, v3  }
0x63: {  	[tilespmem:s24+$0xFFFFFFD0] =	vst v61;
	v31 =	vmul.f32 $9.499999880e-01, v40;
	v55 =	vld.idx.msk [tilespmem:v13+s17+$0x0], $0xffff;
	v21 =	vmul.f32 v24, v58  }
0x64: {  	v35 =	vadd.f32 v27, v56;
	[tilespmem:s24+$0xFFFFFFC0] =	vst v26;
	v60 =	vld.idx.msk [tilespmem:v16+s17+$0x0], $0xffff;
	v24 =	vmul.f32 $9.499999880e-01, v30;
	v30 =	vmul.f32 $9.499999880e-01, v39  }
0x65: {  	v27 =	vadd.f32 v23, v31;
	v26 =	vadd.f32 v32, v62;
	v25 =	vld.idx.msk [tilespmem:v12+s17+$0x0], $0xffff;
	v23 =	vsub.s32 v4, v59  }
0x66: {  	[tilespmem:s25+$0xFFFFFFC0] =	vst v20;
	v20 =	vld.idx.msk [tilespmem:v13+s18+$0x0], $0xffff;
	vm1 =	veq.s32 v59, $0x0;
	v21 =	vadd.f32 v21, v24;
	v29 =	vadd.f32 v22, v30  }
0x67: {  	[tilespmem:s25+$0xFFFFFFD0] =	vst v19;
	v24 =	vld.idx.msk [tilespmem:v10+s17+$0x0], $0xffff;
	v30 =	vcvt.s32.f32 v23;
	v32 =	vsub.s32 v4, v63;
	vm4 =	veq.s32 v63, $0x0  }
0x68: {  	s19 =	simm.s32 $0x61C0;
	[tilespmem:s24+$0xFFFFFFE0] =	vst v35;
	v19 =	vld.idx.msk [tilespmem:v16+s18+$0x0], $0xffff;
	vm3 =	veq.s32 v57, $0x0;
	v22 =	vsub.s32 v4, v55;
	vm0 =	veq.s32 v55, $0x0  }
0x69: {  	s23 =	simm.s32 $0xA1C0;
	[tilespmem:s19+$0x30] =	vst v21;
	v21 =	vsub.s32 v4, v57;
	v23 =	vsub.s32 v4, v60;
	v31 =	vcvt.s32.f32 v22;
	v22 =	vld.idx.msk [tilespmem:v11+s18+$0x0], $0xffff  }
0x6a: {  	s28 =	simm.s32 $0x140;
	s26 =	simm.s32 $0x8;
	vm2 =	veq.s32 v60, $0x0;
	[tilespmem:s23+$0x30] =	vst v34;
	v28 =	vcvt.s32.f32 v21;
	v21 =	vld.idx.msk [tilespmem:v17+s18+$0x0], $0xffff;
	v23 =	vcvt.s32.f32 v23  }
.LBB2_2:
0x6b: {  	v33 =	vld [tilespmem:s28+$0x30];
	v32 =	vcvt.s32.f32 v32;
	v34 =	vsub.s32 v4, v25;
	vm5 =	veq.s32 v25, $0x0;
	[tilespmem:s25+$0xFFFFFFE0] =	vst v7;
	v7 =	vmovc v17  }
0x6c: {  	s26 =	sadd.s32 $0x8, s26;
	vm6 =	veq.s32 v24, $0x0;
	v17 =	vld [tilespmem:s28+$0xFFFFFFD0];
	v25 =	vcvt.s32.f32 v34;
	v34 =	vsub.s32 v4, v24;
	[tilespmem:s24+$0xFFFFFFF0] =	vst v29  }
0x6d: {  	v35 =	vsel vm3, $0x3F800000, v3;
	p0 =	slt.u32 s26, $0x3F8;
	v29 =	vsel vm0, $0x3F800000, v3;
	v24 =	vld [tilespmem:s28+$0xFFFFFFE0];
	v34 =	vcvt.s32.f32 v34;
	[tilespmem:s25+$0xFFFFFFF0] =	vst v8;
	v8 =	vmovc v16  }
0x6e: {  	v36 =	vsel vm1, $0x3F800000, v3;
	v37 =	vsel vm2, $0x3F800000, v3;
	v38 =	vsel vm4, $0x3F800000, v3;
	v16 =	vld [tilespmem:s28+$0xFFFFFFF0];
	[tilespmem:s24+$0x0] =	vst v27  }
0x6f: {  	v39 =	vsel vm6, $0x3F800000, v3;
	v29 =	vmul.f32 v31, v29;
	v31 =	vsel vm5, $0x3F800000, v3;
	v27 =	vld [tilespmem:s28+$0x0];
	[tilespmem:s25+$0x0] =	vst v9;
	v9 =	vmovc v14  }
0x70: {  	v28 =	vmul.f32 v28, v35;
	v30 =	vmul.f32 v30, v36;
	v40 =	vld [tilespmem:s28+$0x10];
	v41 =	vshra.s32 v33, $0xC;
	[tilespmem:s24+$0x10] =	vst v26  }
0x71: {  	v33 =	vsub.s32 v33, v1;
	v26 =	vshra.s32 v17, $0xC;
	v35 =	vld [tilespmem:s28+$0x20];
	vm1 =	veq.s32 v41, v0;
	[tilespmem:s25+$0x10] =	vst v6;
	v6 =	vmovc v12  }
0x72: {  	v36 =	vld [tilespmem:s28+$0xFFFFFFC0];
	vm0 =	veq.s32 v26, v0;
	v26 =	vshra.s32 v24, $0xC;
	v33 =	vsel vm1, v33, v2  }
0x73: {  	v17 =	vsub.s32 v17, v1;
	vm1 =	veq.s32 v26, v0;
	v26 =	vshra.s32 v16, $0xC;
	v41 =	vld.idx.msk [tilespmem:v14+s18+$0x0], $0xffff  }
0x74: {  	v14 =	vsub.s32 v24, v1;
	vm2 =	veq.s32 v26, v0;
	v24 =	vshra.s32 v27, $0xC;
	v26 =	vld.idx.msk [tilespmem:v12+s18+$0x0], $0xffff  }
0x75: {  	v12 =	vsub.s32 v16, v1;
	vm3 =	veq.s32 v24, v0;
	v16 =	vshra.s32 v40, $0xC;
	v24 =	vld.idx.msk [tilespmem:v10+s18+$0x0], $0xffff  }
0x76: {  	v27 =	vsub.s32 v27, v1;
	vm4 =	veq.s32 v16, v0;
	v16 =	vshra.s32 v35, $0xC  }
0x77: {  	v42 =	vshra.s32 v36, $0xC;
	v36 =	vsub.s32 v36, v1;
	vm5 =	veq.s32 v16, v0;
	v43 =	vld.idx.msk [tilespmem:v33+s17+$0x0], $0xffff  }
0x78: {  	v40 =	vsub.s32 v40, v1;
	v35 =	vsub.s32 v35, v1;
	vm6 =	veq.s32 v42, v0  }
0x79: {  	v42 =	vsel vm0, v17, v2;
	v17 =	vsel vm1, v14, v2;
	v36 =	vsel vm6, v36, v2  }
0x7a: {  	v16 =	vsel vm2, v12, v2;
	v12 =	vsel vm4, v40, v2;
	v14 =	vsel vm3, v27, v2;
	v27 =	vld.idx.msk [tilespmem:v33+s18+$0x0], $0xffff  }
0x7b: {  	v23 =	vmul.f32 v23, v37;
	v32 =	vmul.f32 v32, v38;
	v35 =	vsel vm5, v35, v2  }
0x7c: {  	v18 =	vadd.f32 v15, v18;
	v31 =	vmul.f32 v25, v31;
	v15 =	vmul.f32 v34, v39  }
0x7d: {  	v20 =	vmul.f32 $9.499999880e-01, v20;
	v22 =	vmul.f32 $9.499999880e-01, v22;
	v25 =	vsub.s32 v4, v43  }
0x7e: {  	v21 =	vmul.f32 $9.499999880e-01, v21;
	vm0 =	veq.s32 v43, $0x0;
	v25 =	vcvt.s32.f32 v25;
	v34 =	vld.idx.msk [tilespmem:v36+s17+$0x0], $0xffff;
	[tilespmem:s24+$0x20] =	vst v18;
	s24 =	smov.u32 s19  }
0x7f: {  	v19 =	vmul.f32 $9.499999880e-01, v19;
	v38 =	vmul.f32 $9.499999880e-01, v41;
	v18 =	vsel vm0, $0x3F800000, v3;
	v37 =	vld.idx.msk [tilespmem:v42+s17+$0x0], $0xffff;
	[tilespmem:s25+$0x20] =	vst v5;
	v5 =	vmovc v10;
	v10 =	vmovc v35;
	s25 =	smov.u32 s23  }
0x80: {  	v20 =	vadd.f32 v29, v20;
	v27 =	vmul.f32 $9.499999880e-01, v27;
	v25 =	vmul.f32 v25, v18;
	v35 =	vld.idx.msk [tilespmem:v17+s17+$0x0], $0xffff  }
0x81: {  	v40 =	vadd.f32 v28, v22;
	v22 =	vmul.f32 $9.499999880e-01, v26;
	v18 =	vmul.f32 $9.499999880e-01, v24;
	v39 =	vld.idx.msk [tilespmem:v16+s17+$0x0], $0xffff  }
0x82: {  	v43 =	vadd.f32 v30, v21;
	v26 =	vadd.f32 v25, v27;
	v41 =	vld.idx.msk [tilespmem:v14+s17+$0x0], $0xffff;
	[tilespmem:s19+$0xFFFFFFC0] =	vst v20  }
0x83: {  	v29 =	vadd.f32 v23, v19;
	v27 =	vadd.f32 v32, v38;
	s19 =	sadd.s32 $0x80, s19;
	v25 =	vld.idx.msk [tilespmem:v12+s17+$0x0], $0xffff;
	[tilespmem:s23+$0xFFFFFFC0] =	vst v13;
	v13 =	vmov v36  }
.Ltmp0:
0x84: {  	v19 =	vsub.s32 v4, v34;
	vm0 =	veq.s32 v34, $0x0;
	s23 =	sadd.s32 $0x80, s23;
	v24 =	vld.idx.msk [tilespmem:v10+s17+$0x0], $0xffff;
	[tilespmem:s19+$0x30] =	vst v26;
	v26 =	vadd.f32 v31, v22;
	(pc) =	sbr.rel @p0 .LBB2_2-.Ltmp0, $4  }
0x85: {  	v31 =	vcvt.s32.f32 v19;
	v19 =	vsub.s32 v4, v37;
	vm3 =	veq.s32 v37, $0x0;
	v20 =	vld.idx.msk [tilespmem:v36+s18+$0x0], $0xffff;
	[tilespmem:s23+$0x30] =	vst v33  }
0x86: {  	v28 =	vcvt.s32.f32 v19;
	v19 =	vsub.s32 v4, v35;
	vm1 =	veq.s32 v35, $0x0;
	v22 =	vld.idx.msk [tilespmem:v42+s18+$0x0], $0xffff;
	[tilespmem:s24+$0xFFFFFFD0] =	vst v40  }
0x87: {  	v30 =	vcvt.s32.f32 v19;
	v23 =	vsub.s32 v4, v39;
	vm2 =	veq.s32 v39, $0x0;
	v21 =	vld.idx.msk [tilespmem:v17+s18+$0x0], $0xffff;
	[tilespmem:s25+$0xFFFFFFD0] =	vst v11;
	v11 =	vmovc v42  }
0x88: {  	s28 =	sadd.s32 $0x80, s28;
	v23 =	vcvt.s32.f32 v23;
	v32 =	vsub.s32 v4, v41;
	vm4 =	veq.s32 v41, $0x0;
	v19 =	vld.idx.msk [tilespmem:v16+s18+$0x0], $0xffff;
	[tilespmem:s24+$0xFFFFFFE0] =	vst v43  }
0x89: {  	[tilespmem:s25+$0xFFFFFFE0] =	vst v7  }
0x8a: {  	[tilespmem:s24+$0xFFFFFFF0] =	vst v29  }
0x8b: {  	[tilespmem:s24+$0x0] =	vst v27  }
0x8c: {  	[tilespmem:s24+$0x10] =	vst v26  }
0x8d: {  	v7 =	vsel vm0, $0x3F800000, v3;
	[tilespmem:s25+$0xFFFFFFF0] =	vst v8  }
0x8e: {  	[tilespmem:s25+$0x0] =	vst v9;
	v7 =	vmul.f32 v31, v7;
	v8 =	vadd.f32 v15, v18;
	v9 =	vmul.f32 $9.499999880e-01, v20  }
0x8f: {  	v15 =	vsel vm3, $0x3F800000, v3;
	[tilespmem:s25+$0x10] =	vst v6  }
0x90: {  	v6 =	vmul.f32 v28, v15;
	v15 =	vmul.f32 $9.499999880e-01, v22;
	[tilespmem:s24+$0x20] =	vst v8;
	v7 =	vadd.f32 v7, v9  }
0x91: {  	vm6 =	veq.s32 v25, $0x0;
	v18 =	vld.idx.msk [tilespmem:v14+s18+$0x0], $0xffff;
	v9 =	vsel vm1, $0x3F800000, v3;
	[tilespmem:s25+$0x20] =	vst v5  }
0x92: {  	v5 =	vmul.f32 v30, v9;
	v9 =	vmul.f32 $9.499999880e-01, v21;
	v6 =	vadd.f32 v6, v15;
	[tilespmem:s19+$0xFFFFFFC0] =	vst v7  }
0x93: {  	v20 =	vld.idx.msk [tilespmem:v12+s18+$0x0], $0xffff;
	v8 =	vcvt.s32.f32 v32;
	v15 =	vsel vm2, $0x3F800000, v3;
	v7 =	vsub.s32 v4, v25;
	[tilespmem:s23+$0xFFFFFFC0] =	vst v13  }
0x94: {  	v13 =	vmul.f32 v23, v15;
	v15 =	vmul.f32 $9.499999880e-01, v19;
	v5 =	vadd.f32 v5, v9;
	[tilespmem:s19+$0xFFFFFFD0] =	vst v6  }
0x95: {  	v6 =	vcvt.s32.f32 v7;
	v7 =	vsub.s32 v4, v24;
	v9 =	vsel vm4, $0x3F800000, v3;
	v19 =	vld.idx.msk [tilespmem:v10+s18+$0x0], $0xffff;
	[tilespmem:s23+$0xFFFFFFD0] =	vst v11  }
0x96: {  	v8 =	vmul.f32 v8, v9;
	v9 =	vmul.f32 $9.499999880e-01, v18;
	v11 =	vadd.f32 v13, v15;
	[tilespmem:s19+$0xFFFFFFE0] =	vst v5  }
0x97: {  	vm7 =	veq.s32 v24, $0x0;
	v5 =	vcvt.s32.f32 v7;
	v7 =	vsel vm6, $0x3F800000, v3;
	[tilespmem:s23+$0xFFFFFFE0] =	vst v17  }
0x98: {  	v6 =	vmul.f32 v6, v7;
	v7 =	vmul.f32 $9.499999880e-01, v20;
	v8 =	vadd.f32 v8, v9;
	[tilespmem:s19+$0xFFFFFFF0] =	vst v11  }
0x99: {  	v9 =	vsel vm7, $0x3F800000, v3;
	[tilespmem:s23+$0xFFFFFFF0] =	vst v16  }
0x9a: {  	v5 =	vmul.f32 v5, v9;
	v9 =	vmul.f32 $9.499999880e-01, v19;
	v6 =	vadd.f32 v6, v7;
	[tilespmem:s19+$0x0] =	vst v8  }
0x9b: {  	[tilespmem:s23+$0x0] =	vst v14  }
0x9c: {  	[tilespmem:s19+$0x10] =	vst v6;
	v5 =	vadd.f32 v5, v9  }
0x9d: {  	[tilespmem:s23+$0x10] =	vst v12  }
0x9e: {  	[tilespmem:s19+$0x20] =	vst v5  }
0x9f: {  	[tilespmem:s23+$0x20] =	vst v10  }
0xa0: {  	_ =	swait.ge [sflag:s5], $0x80  }
0xa1: {  	[sflag:s5] =	ssyncset.done $0x0  }
0xa2: {  	[sflag:s5] =	ssyncadd.s32 $0xFFFFFF80  }
0xa3: {  	_ =	swait.ge [sflag:s5], $0x80  }
0xa4: {  	[sflag:s5] =	ssyncset.done $0x0  }
0xa5: {  	[sflag:s5] =	ssyncadd.s32 $0xFFFFFF80  }
0xa6: {  	_ =	swait.ge [sflag:s5], $0x80  }
0xa7: {  	[sflag:s5] =	ssyncset.done $0x0  }
0xa8: {  	[sflag:s5] =	ssyncadd.s32 $0xFFFFFF80  }
0xa9: {  	_ =	swait.ge [sflag:s5], $0x80  }
0xaa: {  	[sflag:s5] =	ssyncset.done $0x0  }
0xab: {  	[sflag:s5] =	ssyncadd.s32 $0xFFFFFF80  }
0xac: {  	_ =	swait.ge [sflag:s5], $0x80  }
0xad: {  	[sflag:s5] =	ssyncset.done $0x0  }
0xae: {  	[sflag:s5] =	ssyncadd.s32 $0xFFFFFF80  }
0xaf: {  	_ =	swait.ge [sflag:s5], $0x80  }
0xb0: {  	[sflag:s5] =	ssyncset.done $0x0  }
0xb1: {  	[sflag:s5] =	ssyncadd.s32 $0xFFFFFF80  }
0xb2: {  	_ =	swait.ge [sflag:s5], $0x80  }
0xb3: {  	[sflag:s5] =	ssyncset.done $0x0  }
0xb4: {  	[sflag:s5] =	ssyncadd.s32 $0xFFFFFF80  }
0xb5: {  	_ =	swait.ge [sflag:s5], $0x80  }
0xb6: {  	[sflag:s5] =	ssyncset.done $0x0  }
0xb7: {  	[sflag:s5] =	ssyncadd.s32 $0xFFFFFF80  }
0xb8: {  	v5 =	vld [tilespmem:$0xE100];
	_ =	sdelay $0x1  }
0xb9: {  	v6 =	vld [tilespmem:$0xE300]  }
0xba: {  	v7 =	vld [tilespmem:$0xE110];
	_ =	sdelay $0x1  }
0xbb: {  	v8 =	vsub.s32 v4, v5  }
0xbc: {  	v10 =	vld [tilespmem:$0xE120];
	vm8 =	veq.s32 v5, $0x0;
	v8 =	vcvt.s32.f32 v8  }
0xbd: {  	v5 =	vld [tilespmem:$0xE310];
	v9 =	vsel vm8, $0x3F800000, v3  }
0xbe: {  	v11 =	vld [tilespmem:$0xE320];
	v6 =	vmul.f32 $9.499999880e-01, v6;
	v8 =	vmul.f32 v8, v9;
	v9 =	vsub.s32 v4, v7  }
0xbf: {  	vm9 =	veq.s32 v7, $0x0;
	v7 =	vld [tilespmem:$0xE130];
	v9 =	vcvt.s32.f32 v9  }
0xc0: {  	v12 =	vld [tilespmem:$0xE330];
	v6 =	vadd.f32 v8, v6;
	v8 =	vsel vm9, $0x3F800000, v3  }
0xc1: {  	v8 =	vmul.f32 v9, v8;
	v9 =	vld [tilespmem:$0xE140]  }
0xc2: {  	v5 =	vmul.f32 $9.499999880e-01, v5;
	(erf) = vrcp.f32 v6;
	v6 =	vsub.s32 v4, v10  }
0xc3: {  	vm10 =	veq.s32 v10, $0x0;
	v10 =	vmul.f32 $9.499999880e-01, v11;
	v6 =	vcvt.s32.f32 v6  }
0xc4: {  	v5 =	vadd.f32 v8, v5;
	v8 =	vsel vm10, $0x3F800000, v3;
	v11 =	vsub.s32 v4, v7  }
0xc5: {  	v13 =	vld [tilespmem:$0xE340];
	vm11 =	veq.s32 v7, $0x0;
	v6 =	vmul.f32 v6, v8;
	v8 =	vcvt.s32.f32 v11  }
0xc6: {  	v14 =	vld [tilespmem:$0xE150];
	v7 =	vsel vm11, $0x3F800000, v3;
	v11 =	vmul.f32 $9.499999880e-01, v12;
	v12 =	vsub.s32 v4, v9  }
0xc7: {  	vm12 =	veq.s32 v9, $0x0;
	v9 =	vld [tilespmem:$0xE160];
	v7 =	vmul.f32 v8, v7;
	v8 =	vcvt.s32.f32 v12  }
0xc8: {  	(erf) = vrcp.f32 v5;
	v5 =	vadd.f32 v6, v10;
	v6 =	vsel vm12, $0x3F800000, v3;
	v10 =	vld [tilespmem:$0xE350]  }
0xc9: {  	v7 =	vadd.f32 v7, v11;
	v6 =	vmul.f32 v8, v6;
	v8 =	vld [tilespmem:$0xE360]  }
0xca: {  	v11 =	vmul.f32 $9.499999880e-01, v13;
	(erf) = vrcp.f32 v5;
	v5 =	vld [tilespmem:$0xE170]  }
0xcb: {  	vm13 =	veq.s32 v14, $0x0;
	(erf) = vrcp.f32 v7;
	v7 =	vsub.s32 v4, v14  }
0xcc: {  	v12 =	vld [tilespmem:$0xE370];
	v6 =	vadd.f32 v6, v11;
	v11 =	vsub.s32 v4, v9;
	v7 =	vcvt.s32.f32 v7  }
0xcd: {  	v13 =	vsel vm13, $0x3F800000, v3;
	vm14 =	veq.s32 v9, $0x0;
	v9 =	vld [tilespmem:$0xE180];
	v11 =	vcvt.s32.f32 v11  }
0xce: {  	v10 =	vmul.f32 $9.499999880e-01, v10;
	v7 =	vmul.f32 v7, v13;
	v13 =	vsel vm14, $0x3F800000, v3  }
0xcf: {  	v8 =	vmul.f32 $9.499999880e-01, v8;
	v11 =	vmul.f32 v11, v13;
	v13 =	vsub.s32 v4, v5  }
0xd0: {  	(erf) = vrcp.f32 v6;
	vm15 =	veq.s32 v5, $0x0;
	v5 =	vld [tilespmem:$0xE380];
	v6 =	vcvt.s32.f32 v13  }
0xd1: {  	v7 =	vadd.f32 v7, v10;
	v10 =	vsel vm15, $0x3F800000, v3;
	v8 =	vadd.f32 v11, v8;
	v11 =	vld [tilespmem:$0xE190]  }
0xd2: {  	v12 =	vmul.f32 $9.499999880e-01, v12;
	v13 =	vld [tilespmem:$0xE390];
	v6 =	vmul.f32 v6, v10;
	v10 =	vsub.s32 v4, v9  }
0xd3: {  	vm4 =	veq.s32 v9, $0x0;
	(erf) = vrcp.f32 v7;
	v9 =	vld [tilespmem:$0xE1A0];
	v7 =	vcvt.s32.f32 v10  }
0xd4: {  	(erf) = vrcp.f32 v8;
	v8 =	vsel vm4, $0x3F800000, v3;
	v10 =	vld [tilespmem:$0xE3A0];
	v6 =	vadd.f32 v6, v12  }
0xd5: {  	v7 =	vmul.f32 v7, v8;
	v8 =	vld [tilespmem:$0xE1B0]  }
0xd6: {  	v5 =	vmul.f32 $9.499999880e-01, v5;
	(erf) = vrcp.f32 v6;
	v6 =	vsub.s32 v4, v11  }
0xd7: {  	vm5 =	veq.s32 v11, $0x0;
	v11 =	vmul.f32 $9.499999880e-01, v13;
	v6 =	vcvt.s32.f32 v6  }
0xd8: {  	v5 =	vadd.f32 v7, v5;
	v7 =	vsel vm5, $0x3F800000, v3;
	v12 =	vsub.s32 v4, v9  }
0xd9: {  	v13 =	vld [tilespmem:$0xE3B0];
	vm6 =	veq.s32 v9, $0x0;
	v6 =	vmul.f32 v6, v7;
	v7 =	vcvt.s32.f32 v12  }
0xda: {  	v14 =	vld [tilespmem:$0xE1C0];
	v9 =	vsel vm6, $0x3F800000, v3;
	v10 =	vmul.f32 $9.499999880e-01, v10;
	v12 =	vsub.s32 v4, v8  }
0xdb: {  	vm7 =	veq.s32 v8, $0x0;
	v8 =	vld [tilespmem:$0xE1D0];
	v7 =	vmul.f32 v7, v9;
	v9 =	vcvt.s32.f32 v12  }
0xdc: {  	(erf) = vrcp.f32 v5;
	v5 =	vadd.f32 v6, v11;
	v6 =	vsel vm7, $0x3F800000, v3;
	v11 =	vld [tilespmem:$0xE3C0]  }
0xdd: {  	v7 =	vadd.f32 v7, v10;
	v6 =	vmul.f32 v9, v6;
	v9 =	vld [tilespmem:$0xE3D0]  }
0xde: {  	v10 =	vmul.f32 $9.499999880e-01, v13;
	(erf) = vrcp.f32 v5;
	v5 =	vld [tilespmem:$0xE1E0]  }
0xdf: {  	vm8 =	veq.s32 v14, $0x0;
	(erf) = vrcp.f32 v7;
	v7 =	vsub.s32 v4, v14  }
0xe0: {  	v12 =	vld [tilespmem:$0xE3E0];
	v6 =	vadd.f32 v6, v10;
	v10 =	vsub.s32 v4, v8;
	v7 =	vcvt.s32.f32 v7  }
0xe1: {  	v13 =	vsel vm8, $0x3F800000, v3;
	vm9 =	veq.s32 v8, $0x0;
	v8 =	vld [tilespmem:$0xE1F0];
	v10 =	vcvt.s32.f32 v10  }
0xe2: {  	v11 =	vmul.f32 $9.499999880e-01, v11;
	v7 =	vmul.f32 v7, v13;
	v13 =	vsel vm9, $0x3F800000, v3  }
0xe3: {  	v9 =	vmul.f32 $9.499999880e-01, v9;
	v10 =	vmul.f32 v10, v13;
	v13 =	vsub.s32 v4, v5  }
0xe4: {  	(erf) = vrcp.f32 v6;
	vm10 =	veq.s32 v5, $0x0;
	v5 =	vld [tilespmem:$0xE3F0];
	v6 =	vcvt.s32.f32 v13  }
0xe5: {  	v7 =	vadd.f32 v7, v11;
	v11 =	vld [tilespmem:$0xE200];
	v9 =	vadd.f32 v10, v9;
	v10 =	vsel vm10, $0x3F800000, v3  }
0xe6: {  	v14 =	vld [tilespmem:$0xE400];
	v12 =	vmul.f32 $9.499999880e-01, v12;
	v6 =	vmul.f32 v6, v10;
	v10 =	vsub.s32 v4, v8  }
0xe7: {  	vm11 =	veq.s32 v8, $0x0;
	v13 =	vpop (erf);
	(erf) = vrcp.f32 v7;
	v8 =	vld [tilespmem:$0xE210];
	v7 =	vcvt.s32.f32 v10  }
0xe8: {  	v15 =	vpop (erf);
	(erf) = vrcp.f32 v9;
	v9 =	vsel vm11, $0x3F800000, v3;
	v10 =	vld [tilespmem:$0xE410];
	v6 =	vadd.f32 v6, v12  }
0xe9: {  	v7 =	vmul.f32 v7, v9;
	v9 =	vld [tilespmem:$0xE220]  }
0xea: {  	v12 =	vpop (erf);
	v5 =	vmul.f32 $9.499999880e-01, v5;
	(erf) = vrcp.f32 v6;
	v6 =	vsub.s32 v4, v11  }
0xeb: {  	vm12 =	veq.s32 v11, $0x0;
	v11 =	vmul.f32 $9.499999880e-01, v14;
	v6 =	vcvt.s32.f32 v6  }
0xec: {  	v5 =	vadd.f32 v7, v5;
	v7 =	vsel vm12, $0x3F800000, v3;
	v14 =	vsub.s32 v4, v8  }
0xed: {  	v16 =	vld [tilespmem:$0xE420];
	vm13 =	veq.s32 v8, $0x0;
	v6 =	vmul.f32 v6, v7;
	v7 =	vcvt.s32.f32 v14  }
0xee: {  	v17 =	vld [tilespmem:$0xE230];
	v8 =	vsel vm13, $0x3F800000, v3;
	v10 =	vmul.f32 $9.499999880e-01, v10;
	v14 =	vsub.s32 v4, v9  }
0xef: {  	vm14 =	veq.s32 v9, $0x0;
	v9 =	vld [tilespmem:$0xE240];
	v7 =	vmul.f32 v7, v8;
	v8 =	vcvt.s32.f32 v14  }
0xf0: {  	v18 =	vpop (erf);
	(erf) = vrcp.f32 v5;
	v5 =	vadd.f32 v6, v11;
	v6 =	vsel vm14, $0x3F800000, v3;
	v11 =	vld [tilespmem:$0xE430]  }
0xf1: {  	v7 =	vadd.f32 v7, v10;
	v6 =	vmul.f32 v8, v6;
	v8 =	vld [tilespmem:$0xE440]  }
0xf2: {  	v14 =	vpop (erf);
	v10 =	vmul.f32 $9.499999880e-01, v16;
	(erf) = vrcp.f32 v5;
	v5 =	vld [tilespmem:$0xE250]  }
0xf3: {  	vm15 =	veq.s32 v17, $0x0;
	v16 =	vpop (erf);
	(erf) = vrcp.f32 v7;
	v7 =	vsub.s32 v4, v17  }
0xf4: {  	v6 =	vadd.f32 v6, v10;
	v10 =	vsub.s32 v4, v9;
	v17 =	vld [tilespmem:$0xE450];
	v7 =	vcvt.s32.f32 v7  }
0xf5: {  	v19 =	vsel vm15, $0x3F800000, v3;
	vm4 =	veq.s32 v9, $0x0;
	v9 =	vld [tilespmem:$0xE260];
	v10 =	vcvt.s32.f32 v10  }
0xf6: {  	v11 =	vmul.f32 $9.499999880e-01, v11;
	v7 =	vmul.f32 v7, v19;
	v19 =	vsel vm4, $0x3F800000, v3  }
0xf7: {  	v8 =	vmul.f32 $9.499999880e-01, v8;
	v10 =	vmul.f32 v10, v19;
	v19 =	vsub.s32 v4, v5  }
0xf8: {  	v20 =	vpop (erf);
	(erf) = vrcp.f32 v6;
	vm5 =	veq.s32 v5, $0x0;
	v5 =	vld [tilespmem:$0xE460];
	v6 =	vcvt.s32.f32 v19  }
0xf9: {  	v7 =	vadd.f32 v7, v11;
	v11 =	vld [tilespmem:$0xE270];
	v8 =	vadd.f32 v10, v8;
	v10 =	vsel vm5, $0x3F800000, v3  }
0xfa: {  	v21 =	vld [tilespmem:$0xE470];
	v17 =	vmul.f32 $9.499999880e-01, v17;
	v6 =	vmul.f32 v6, v10;
	v10 =	vsub.s32 v4, v9  }
0xfb: {  	vm6 =	veq.s32 v9, $0x0;
	v19 =	vpop (erf);
	(erf) = vrcp.f32 v7;
	v9 =	vld [tilespmem:$0xE280];
	v7 =	vcvt.s32.f32 v10  }
0xfc: {  	v22 =	vpop (erf);
	(erf) = vrcp.f32 v8;
	v8 =	vsel vm6, $0x3F800000, v3;
	v10 =	vld [tilespmem:$0xE480];
	v6 =	vadd.f32 v6, v17  }
0xfd: {  	v7 =	vmul.f32 v7, v8;
	v8 =	vld [tilespmem:$0xE290]  }
0xfe: {  	v17 =	vpop (erf);
	v5 =	vmul.f32 $9.499999880e-01, v5;
	(erf) = vrcp.f32 v6;
	v6 =	vsub.s32 v4, v11  }
0xff: {  	vm7 =	veq.s32 v11, $0x0;
	v11 =	vmul.f32 $9.499999880e-01, v21;
	v6 =	vcvt.s32.f32 v6  }
0x100: {  	v5 =	vadd.f32 v7, v5;
	v7 =	vsel vm7, $0x3F800000, v3;
	v21 =	vsub.s32 v4, v9  }
0x101: {  	v23 =	vld [tilespmem:$0xE490];
	vm8 =	veq.s32 v9, $0x0;
	v6 =	vmul.f32 v6, v7;
	v7 =	vcvt.s32.f32 v21  }
0x102: {  	v62 =	vld [tilespmem:$0xE2A0];
	v9 =	vsel vm8, $0x3F800000, v3;
	v10 =	vmul.f32 $9.499999880e-01, v10;
	v21 =	vsub.s32 v4, v8  }
0x103: {  	vm9 =	veq.s32 v8, $0x0;
	v8 =	vld [tilespmem:$0xE2B0];
	v7 =	vmul.f32 v7, v9;
	v9 =	vcvt.s32.f32 v21  }
0x104: {  	v63 =	vpop (erf);
	(erf) = vrcp.f32 v5;
	v5 =	vadd.f32 v6, v11;
	v6 =	vsel vm9, $0x3F800000, v3;
	v11 =	vld [tilespmem:$0xE4A0]  }
0x105: {  	[tilespmem:$0xE500] =	vst v13;
	v7 =	vadd.f32 v7, v10;
	v6 =	vmul.f32 v9, v6;
	v9 =	vld [tilespmem:$0xE4B0]  }
0x106: {  	[tilespmem:$0xE510] =	vst v15;
	v13 =	vpop (erf);
	v10 =	vmul.f32 $9.499999880e-01, v23;
	(erf) = vrcp.f32 v5;
	v5 =	vld [tilespmem:$0xE2C0]  }
0x107: {  	vm10 =	veq.s32 v62, $0x0;
	[tilespmem:$0xE520] =	vst v12;
	v12 =	vpop (erf);
	(erf) = vrcp.f32 v7;
	v7 =	vsub.s32 v4, v62  }
0x108: {  	[tilespmem:$0xE540] =	vst v14;
	v14 =	vld [tilespmem:$0xE4C0];
	v6 =	vadd.f32 v6, v10;
	v10 =	vsub.s32 v4, v8;
	v7 =	vcvt.s32.f32 v7  }
0x109: {  	v15 =	vsel vm10, $0x3F800000, v3;
	[tilespmem:$0xE530] =	vst v18;
	vm11 =	veq.s32 v8, $0x0;
	v8 =	vld [tilespmem:$0xE2D0];
	v10 =	vcvt.s32.f32 v10  }
0x10a: {  	[tilespmem:$0xE550] =	vst v16;
	v11 =	vmul.f32 $9.499999880e-01, v11;
	v7 =	vmul.f32 v7, v15;
	v15 =	vsel vm11, $0x3F800000, v3  }
0x10b: {  	v18 =	vld [tilespmem:$0xE4D0];
	[tilespmem:$0xE560] =	vst v20;
	v9 =	vmul.f32 $9.499999880e-01, v9;
	v10 =	vmul.f32 v10, v15;
	v15 =	vsub.s32 v4, v5  }
0x10c: {  	[tilespmem:$0xE570] =	vst v19;
	v16 =	vpop (erf);
	(erf) = vrcp.f32 v6;
	vm12 =	veq.s32 v5, $0x0;
	v5 =	vld [tilespmem:$0xE2E0];
	v6 =	vcvt.s32.f32 v15  }
0x10d: {  	[tilespmem:$0xE580] =	vst v22;
	v7 =	vadd.f32 v7, v11;
	v11 =	vld [tilespmem:$0xE2F0];
	v9 =	vadd.f32 v10, v9;
	v10 =	vsel vm12, $0x3F800000, v3  }
0x10e: {  	v14 =	vmul.f32 $9.499999880e-01, v14;
	[tilespmem:$0xE590] =	vst v17;
	v6 =	vmul.f32 v6, v10;
	v10 =	vsub.s32 v4, v8  }
0x10f: {  	[tilespmem:$0xE5B0] =	vst v13;
	vm13 =	veq.s32 v8, $0x0;
	v15 =	vpop (erf);
	(erf) = vrcp.f32 v7;
	v8 =	vld [tilespmem:$0xE4E0];
	v7 =	vcvt.s32.f32 v10  }
0x110: {  	[tilespmem:$0xE5C0] =	vst v12;
	v12 =	vmul.f32 $9.499999880e-01, v18;
	v13 =	vpop (erf);
	(erf) = vrcp.f32 v9;
	v9 =	vsel vm13, $0x3F800000, v3;
	v10 =	vld [tilespmem:$0xE4F0]  }
0x111: {  	[tilespmem:$0xE5A0] =	vst v63;
	v6 =	vadd.f32 v6, v14;
	v7 =	vmul.f32 v7, v9;
	v9 =	vsub.s32 v4, v5  }
0x112: {  	[tilespmem:$0xE5D0] =	vst v16;
	vm14 =	veq.s32 v5, $0x0;
	v5 =	vsub.s32 v4, v11;
	v9 =	vcvt.s32.f32 v9  }
0x113: {  	[tilespmem:$0xE5F0] =	vst v13;
	v13 =	vsel vm14, $0x3F800000, v3;
	vm15 =	veq.s32 v11, $0x0;
	v5 =	vcvt.s32.f32 v5  }
0x114: {  	[tilespmem:$0xE5E0] =	vst v15;
	v14 =	vpop (erf);
	v8 =	vmul.f32 $9.499999880e-01, v8;
	v9 =	vmul.f32 v9, v13;
	v13 =	vsel vm15, $0x3F800000, v3  }
0x115: {  	v11 =	vpop (erf);
	[tilespmem:$0xE600] =	vst v14;
	v7 =	vadd.f32 v7, v12;
	v10 =	vmul.f32 $9.499999880e-01, v10;
	v5 =	vmul.f32 v5, v13  }
0x116: {  	v14 =	vpop (erf);
	[tilespmem:$0xE610] =	vst v11;
	(erf) = vrcp.f32 v6;
	v6 =	vadd.f32 v9, v8  }
0x117: {  	[tilespmem:$0xE620] =	vst v14;
	v11 =	vpop (erf);
	v5 =	vadd.f32 v5, v10  }
0x118: {  	[tilespmem:$0xE630] =	vst v11;
	(erf) = vrcp.f32 v7;
	v8 =	vpop (erf)  }
0x119: {  	[tilespmem:$0xE640] =	vst v8;
	v7 =	vpop (erf);
	(erf) = vrcp.f32 v6  }
0x11a: {  	[tilespmem:$0xE650] =	vst v7;
	v6 =	vpop (erf);
	(erf) = vrcp.f32 v5  }
0x11b: {  	v5 =	vpop (erf);
	[tilespmem:$0xE660] =	vst v6  }
0x11c: {  	v6 =	vpop (erf);
	[tilespmem:$0xE670] =	vst v5  }
0x11d: {  	v5 =	vpop (erf);
	[tilespmem:$0xE680] =	vst v6  }
0x11e: {  	v6 =	vpop (erf);
	[tilespmem:$0xE690] =	vst v5  }
0x11f: {  	v5 =	vpop (erf);
	[tilespmem:$0xE6A0] =	vst v6  }
0x120: {  	v6 =	vpop (erf);
	[tilespmem:$0xE6B0] =	vst v5  }
0x121: {  	v5 =	vpop (erf);
	[tilespmem:$0xE6C0] =	vst v6  }
0x122: {  	v6 =	vpop (erf);
	[tilespmem:$0xE6D0] =	vst v5  }
0x123: {  	[tilespmem:$0xE6E0] =	vst v6;
	v5 =	vpop (erf)  }
0x124: {  	s25 =	simm.s32 $0xA140;
	[tilespmem:$0xE6F0] =	vst v5  }
0x125: {  	[hbm4b:s13+s6] =	stream.linear.scatter [tilespmem:s0], [sflag:$0x2], $0x200, $0x38;
	[tilespmem:$0xE780] =	vst v63  }
0x126: {  	v7 =	vld [tilespmem:s25+$0x30]  }
0x127: {  	v9 =	vld [tilespmem:s25+$0xFFFFFFD0]  }
0x128: {  	v11 =	vld [tilespmem:s25+$0xFFFFFFE0]  }
0x129: {  	v12 =	vld [tilespmem:s25+$0xFFFFFFF0]  }
0x12a: {  	v13 =	vld [tilespmem:s25+$0x0]  }
0x12b: {  	s28 =	simm.s32 $0xA1C0;
	v14 =	vld [tilespmem:s25+$0x10]  }
0x12c: {  	v20 =	vld [tilespmem:s28+$0x30]  }
0x12d: {  	v6 =	vld [tilespmem:s25+$0xFFFFFFC0]  }
0x12e: {  	s26 =	simm.s32 $0x6140;
	v5 =	vld [tilespmem:s25+$0x20];
	[tilespmem:v7+s17+$0x0] =	vst.idx.msk $0xffff, v4  }
0x12f: {  	[tilespmem:v9+s17+$0x0] =	vst.idx.msk $0xffff, v4;
	v8 =	vld [tilespmem:s26+$0x30]  }
0x130: {  	[tilespmem:v11+s17+$0x0] =	vst.idx.msk $0xffff, v4;
	v10 =	vld [tilespmem:s26+$0xFFFFFFD0]  }
0x131: {  	[tilespmem:v12+s17+$0x0] =	vst.idx.msk $0xffff, v4;
	v15 =	vld [tilespmem:s26+$0xFFFFFFE0]  }
0x132: {  	[tilespmem:v13+s17+$0x0] =	vst.idx.msk $0xffff, v4;
	v16 =	vld [tilespmem:s26+$0xFFFFFFF0]  }
0x133: {  	[tilespmem:v14+s17+$0x0] =	vst.idx.msk $0xffff, v4;
	v17 =	vld [tilespmem:s26+$0x0]  }
0x134: {  	s19 =	simm.s32 $0x61C0;
	[tilespmem:v20+s17+$0x0] =	vst.idx.msk $0xffff, v4;
	v18 =	vld [tilespmem:s26+$0x10]  }
0x135: {  	[tilespmem:v6+s17+$0x0] =	vst.idx.msk $0xffff, v4;
	v21 =	vld [tilespmem:s19+$0x30]  }
0x136: {  	[tilespmem:v7+s18+$0x0] =	vst.idx.msk $0xffff, v8;
	v7 =	vld [tilespmem:s28+$0xFFFFFFD0]  }
0x137: {  	[tilespmem:v5+s17+$0x0] =	vst.idx.msk $0xffff, v4;
	v8 =	vld [tilespmem:s28+$0xFFFFFFE0]  }
0x138: {  	[tilespmem:v9+s18+$0x0] =	vst.idx.msk $0xffff, v10;
	v10 =	vld [tilespmem:s28+$0xFFFFFFF0]  }
0x139: {  	[tilespmem:v11+s18+$0x0] =	vst.idx.msk $0xffff, v15;
	v11 =	vld [tilespmem:s28+$0x0]  }
0x13a: {  	[tilespmem:v12+s18+$0x0] =	vst.idx.msk $0xffff, v16;
	v12 =	vld [tilespmem:s28+$0x10]  }
0x13b: {  	[tilespmem:v13+s18+$0x0] =	vst.idx.msk $0xffff, v17;
	v13 =	vld [tilespmem:s28+$0xFFFFFFC0]  }
0x13c: {  	v9 =	vld [tilespmem:s28+$0x20];
	[tilespmem:v14+s18+$0x0] =	vst.idx.msk $0xffff, v18  }
0x13d: {  	v14 =	vld [tilespmem:s26+$0xFFFFFFC0];
	[tilespmem:v20+s18+$0x0] =	vst.idx.msk $0xffff, v21  }
0x13e: {  	v20 =	vld [tilespmem:s26+$0x20];
	[tilespmem:v7+s17+$0x0] =	vst.idx.msk $0xffff, v4  }
0x13f: {  	[tilespmem:v8+s17+$0x0] =	vst.idx.msk $0xffff, v4;
	v15 =	vld [tilespmem:s19+$0xFFFFFFD0]  }
0x140: {  	[tilespmem:v10+s17+$0x0] =	vst.idx.msk $0xffff, v4;
	v16 =	vld [tilespmem:s19+$0xFFFFFFE0]  }
0x141: {  	[tilespmem:v11+s17+$0x0] =	vst.idx.msk $0xffff, v4;
	v17 =	vld [tilespmem:s19+$0xFFFFFFF0]  }
0x142: {  	[tilespmem:v12+s17+$0x0] =	vst.idx.msk $0xffff, v4;
	v18 =	vld [tilespmem:s19+$0x0]  }
0x143: {  	s24 =	simm.s32 $0xA240;
	s23 =	simm.s32 $0x8;
	s25 =	simm.s32 $0x61C0;
	[tilespmem:v13+s17+$0x0] =	vst.idx.msk $0xffff, v4;
	v19 =	vld [tilespmem:s19+$0x10]  }
.LBB2_4:
0x144: {  	v21 =	vld [tilespmem:s24+$0x30];
	s23 =	sadd.s32 $0x8, s23;
	[tilespmem:v9+s17+$0x0] =	vst.idx.msk $0xffff, v4  }
0x145: {  	v22 =	vld [tilespmem:s24+$0xFFFFFFD0];
	p0 =	slt.u32 s23, $0x3F8;
	[tilespmem:v6+s18+$0x0] =	vst.idx.msk $0xffff, v14;
	v6 =	vmov v13  }
0x146: {  	v23 =	vld [tilespmem:s24+$0xFFFFFFE0];
	[tilespmem:v7+s18+$0x0] =	vst.idx.msk $0xffff, v15  }
0x147: {  	v24 =	vld [tilespmem:s24+$0xFFFFFFF0];
	[tilespmem:v8+s18+$0x0] =	vst.idx.msk $0xffff, v16  }
0x148: {  	v25 =	vld [tilespmem:s24+$0x0];
	[tilespmem:v10+s18+$0x0] =	vst.idx.msk $0xffff, v17  }
0x149: {  	v26 =	vld [tilespmem:s24+$0x10];
	[tilespmem:v11+s18+$0x0] =	vst.idx.msk $0xffff, v18  }
0x14a: {  	v17 =	vld [tilespmem:s24+$0x20];
	[tilespmem:v12+s18+$0x0] =	vst.idx.msk $0xffff, v19;
	v7 =	vmov v22  }
0x14b: {  	v13 =	vld [tilespmem:s24+$0xFFFFFFC0];
	[tilespmem:v5+s18+$0x0] =	vst.idx.msk $0xffff, v20;
	v8 =	vmov v23;
	v5 =	vmov v9  }
0x14c: {  	s25 =	sadd.s32 $0x80, s25;
	[tilespmem:v21+s17+$0x0] =	vst.idx.msk $0xffff, v4;
	v14 =	vld [tilespmem:s19+$0xFFFFFFC0];
	v10 =	vmov v24  }
0x14d: {  	[tilespmem:v22+s17+$0x0] =	vst.idx.msk $0xffff, v4;
	v20 =	vld [tilespmem:s25+$0x30];
	v11 =	vmov v25  }
0x14e: {  	v15 =	vld [tilespmem:s25+$0xFFFFFFD0];
	[tilespmem:v23+s17+$0x0] =	vst.idx.msk $0xffff, v4;
	v12 =	vmov v26  }
.Ltmp1:
0x14f: {  	v16 =	vld [tilespmem:s25+$0xFFFFFFE0];
	[tilespmem:v24+s17+$0x0] =	vst.idx.msk $0xffff, v4;
	v9 =	vmov v17;
	(pc) =	sbr.rel @p0 .LBB2_4-.Ltmp1, $4  }
0x150: {  	v17 =	vld [tilespmem:s25+$0xFFFFFFF0];
	[tilespmem:v25+s17+$0x0] =	vst.idx.msk $0xffff, v4  }
0x151: {  	v18 =	vld [tilespmem:s25+$0x0];
	[tilespmem:v26+s17+$0x0] =	vst.idx.msk $0xffff, v4  }
0x152: {  	v19 =	vld [tilespmem:s25+$0x10];
	[tilespmem:v21+s18+$0x0] =	vst.idx.msk $0xffff, v20  }
0x153: {  	s24 =	sadd.s32 $0x80, s24;
	[tilespmem:v13+s17+$0x0] =	vst.idx.msk $0xffff, v4;
	v20 =	vld [tilespmem:s19+$0x20];
	s19 =	smov.u32 s25  }
0x154: {  	_ =	sdelay $0x3  }
0x155: {  	[tilespmem:v9+s17+$0x0] =	vst.idx.msk $0xffff, v4  }
0x156: {  	[tilespmem:v6+s18+$0x0] =	vst.idx.msk $0xffff, v14  }
0x157: {  	[tilespmem:v7+s18+$0x0] =	vst.idx.msk $0xffff, v15  }
0x158: {  	[tilespmem:v8+s18+$0x0] =	vst.idx.msk $0xffff, v16;
	v4 =	vld [tilespmem:s19+$0xFFFFFFC0]  }
0x159: {  	[tilespmem:v10+s18+$0x0] =	vst.idx.msk $0xffff, v17;
	v63 =	vld [tilespmem:s19+$0x20]  }
0x15a: {  	[tilespmem:v11+s18+$0x0] =	vst.idx.msk $0xffff, v18  }
0x15b: {  	[tilespmem:v12+s18+$0x0] =	vst.idx.msk $0xffff, v19  }
0x15c: {  	[tilespmem:v5+s18+$0x0] =	vst.idx.msk $0xffff, v20  }
0x15d: {  	[tilespmem:v13+s18+$0x0] =	vst.idx.msk $0xffff, v4  }
0x15e: {  	[tilespmem:v9+s18+$0x0] =	vst.idx.msk $0xffff, v63  }
0x15f: {  	[hbm4b:s14+s6] =	stream.linear.scatter [tilespmem:s17], [sflag:$0x1], $0x1000, $0x38;
	[tilespmem:$0xE780] =	vst v63  }
0x160: {  	_ = 	snop  }
0x161: {  	[hbm4b:s15+s6] =	stream.linear.scatter [tilespmem:s18], [sflag:$0x1], $0x1000, $0x38;
	[tilespmem:$0xE780] =	vst v63  }
0x162: {  	_ =	swait.ge [sflag:s2], $0x1000  }
0x163: {  	[sflag:s2] =	ssyncset.done $0x0  }
0x164: {  	s1 =	sadd.s32 $0x1, s1;
	[sflag:s2] =	ssyncadd.s32 $0xFFFFF000  }
0x165: {  	p0 =	sne.s32 s1, s16;
	_ =	swait.ge [sflag:s2], $0x1000  }
.Ltmp2:
0x166: {  	[sflag:s2] =	ssyncset.done $0x0;
	(pc) =	sbr.rel @p0 .LBB2_1-.Ltmp2, $4  }
0x167: {  	[sflag:s2] =	ssyncadd.s32 $0xFFFFF000  }
0x168: {  	_ =	swait.ge [sflag:s5], $0x200  }
0x169: {  	[sflag:s5] =	ssyncset.done $0x0  }
0x16a: {  	[sflag:s5] =	ssyncadd.s32 $0xFFFFFE00  }
0x16b: {  	_ =	sfence.sel $0x180000  }
0x16c: {  	[bflag:$0x0] =	sbarrier.arrive $0xFFFF  }
0x16d: {  	_ =	strace $0x90000047  }
0x16e: {  	s0 =	stileid.u32;
	[bflag:$0x2] =	sbarrier.arrive $0xFFFF  }
0x16f: {  	p0 =	sne.s32 s0, $0x0;
	s0 =	rddreg [dreg:$0x7]  }
0x170: {  	s0 =	sadd.s32 @!p0 $0x100000, s0  }
0x171: {  	[sflag:s0] =	ssyncadd.tile.s32 @!p0 $0x1;
	_ =	shalt  }
.Lfunc_end2:
_tile_overlayer_lowered:
.L_overlay_start_2:
0x172: {  	(tag) =	ssettag $0x2  }
0x173: {  	s0 =	rddreg [dreg:$0x0];
	s2 =	stileid.u32  }
0x174: {  	s1 =	rddreg [dreg:$0x1];
	p0 =	sne.s32 s2, $0x0  }
0x175: {  	s3 =	rddreg [dreg:$0x2];
	[bflag:$0x3] =	sbarrier.arrive $0xFFFF;
	s2 =	simm.s32 @!p0 $0x1C04  }
0x176: {  	[timem:s3], [sflag:s2] =	dma.local @!p0 [hbm:s0], s1  }
0x177: {  	s0 =	simm.s32 @!p0 $0x4  }
0x178: {  	_ =	swait.ge @!p0 [sflag:s0], s1  }
0x179: {  	s1 =	ssub.s32 @!p0 $0x0, s1;
	[sflag:s0] =	ssyncset.done @!p0 $0x0  }
0x17a: {  	[sflag:s0] =	ssyncadd.s32 @!p0 s1  }
0x17b: {  	[bflag:$0x3] =	sbarrier.arrive $0xFFFF  }
0x17c: {  	_ =	shalt  }

</sc_bundles>
